<compile_context>
chip_gen: v7x
topology: tpu7x:2x2x1
jax: 0.10.2.dev20260603
libtpu: 0.0.44.dev20260713+nightly
codegen_flags: <defaults>
</compile_context>

<pallas_src>
import functools

import jax
import jax.numpy as jnp
from jax import lax
from jax.experimental import pallas as pl
from jax.experimental.pallas import tpu as pltpu
from jax.experimental.pallas import tpu_sc as plsc

N = 10000
E = 320000
F_IN = 128
DIM = 100
G = 64

NC = 2
NS = 16
K = 128
CH = 79
E_PAD = NC * NS * CH * K
N_PAD = 10112
RPT = N_PAD // NS
D = 128


def _prop_body(table, rowi, coli, zrs, out, acc, ridx, cidx, rows, sem):
    c = lax.axis_index("c")
    s = lax.axis_index("s")
    pltpu.sync_copy(zrs.at[pl.ds(s * RPT, RPT)], acc.at[pl.ds(s * RPT, RPT)])
    plsc.subcore_barrier()
    base = (c * NS + s) * CH * K

    def chunk(i, carry):
        off = base + i * K
        pltpu.sync_copy(rowi.at[pl.ds(off, K)], ridx)
        pltpu.sync_copy(coli.at[pl.ds(off, K)], cidx)
        pltpu.async_copy(table.at[ridx], rows, sem).wait()
        pltpu.sync_copy(rows, acc.at[cidx], add=True)
        return carry

    lax.fori_loop(0, CH, chunk, 0)
    plsc.subcore_barrier()
    pltpu.sync_copy(acc.at[pl.ds(s * RPT, RPT)], out.at[c, pl.ds(s * RPT, RPT)])


@functools.cache
def _get_prop(width):
    mesh = plsc.VectorSubcoreMesh(core_axis_name="c", subcore_axis_name="s",
                                  num_cores=NC, num_subcores=NS)
    return pl.kernel(
        _prop_body,
        out_type=jax.ShapeDtypeStruct((NC, N_PAD, width), jnp.float32),
        mesh=mesh,
        scratch_types=[
            pltpu.VMEM_SHARED((N_PAD, width), jnp.float32),
            pltpu.VMEM((K,), jnp.int32),
            pltpu.VMEM((K,), jnp.int32),
            pltpu.VMEM((K, width), jnp.float32),
            pltpu.SemaphoreType.DMA,
        ],
    )


def _prop(table, rowi, coli, zrs):
    return _get_prop(table.shape[1])(table, rowi, coli, zrs)


def _deg(coli, ones_table, zrs):
    return _prop(ones_table, coli, coli, zrs)



def _rowmask():
    return (lax.broadcasted_iota(jnp.int32, (N_PAD, 1), 0) < N).astype(jnp.float32)


def _tca_body(deg2, x, xs_o, dinv1_o, dinv2_o):
    deg = deg2[0, :, 0:1] + deg2[1, :, 0:1]
    dinv1 = 1.0 / jnp.sqrt(deg + 1.0)
    dinv2 = jnp.where(deg > 0, 1.0 / jnp.sqrt(jnp.maximum(deg, 1.0)), 0.0)
    xs_o[:] = dinv1 * x[:]
    dinv1_o[:] = dinv1
    dinv2_o[:] = dinv2


_tca = pl.pallas_call(
    _tca_body,
    out_shape=(
        jax.ShapeDtypeStruct((N_PAD, D), jnp.float32),
        jax.ShapeDtypeStruct((N_PAD, 1), jnp.float32),
        jax.ShapeDtypeStruct((N_PAD, 1), jnp.float32),
    ),
)


def _tcb_body(acc1, xs, dinv1, w1, b1, hs_o):
    hp = dinv1[:] * (acc1[0] + acc1[1] + xs[:])
    h = jnp.maximum(jnp.dot(hp, w1[:], preferred_element_type=jnp.float32)
                    + b1[:], 0.0)
    hs_o[:] = dinv1[:] * h * _rowmask()


_tcb = pl.pallas_call(
    _tcb_body,
    out_shape=jax.ShapeDtypeStruct((N_PAD, D), jnp.float32),
)


def _tcc_body(acc2, hs, dinv1, dinv2, w2, b2, gam, bet, wa, ts_o, hbn_o):
    h2p = dinv1[:] * (acc2[0] + acc2[1] + hs[:])
    h2 = jnp.maximum(jnp.dot(h2p, w2[:], preferred_element_type=jnp.float32)
                     + b2[:], 0.0)
    h2 = h2 * _rowmask()
    mean = jnp.sum(h2, axis=0, keepdims=True) * (1.0 / N)
    dev = (h2 - mean) * _rowmask()
    var = jnp.sum(dev * dev, axis=0, keepdims=True) * (1.0 / N)
    hbn = ((h2 - mean) * (1.0 / jnp.sqrt(var + 1e-5)) * gam[:] + bet[:]) * _rowmask()
    hbn_o[:] = hbn
    t0 = jnp.dot(hbn, wa[:], preferred_element_type=jnp.float32)
    ts_o[:] = dinv2[:] * t0


_tcc = pl.pallas_call(
    _tcc_body,
    out_shape=(
        jax.ShapeDtypeStruct((N_PAD, D), jnp.float32),
        jax.ShapeDtypeStruct((N_PAD, D), jnp.float32),
    ),
)


def _tcd_body(acc3, hbn, dinv2, va, ba, bat, wf1, bf1, wf2, bf2, wf3, bf3,
              wf4, bf4, out_o):
    t = dinv2[:] * (acc3[0] + acc3[1])
    hf = t + jnp.dot(hbn[:], va[:], preferred_element_type=jnp.float32) + ba[:]
    hf = jnp.maximum(hf, 0.0) * _rowmask()
    oneh = (bat[:] == lax.broadcasted_iota(jnp.int32, (N_PAD, G), 1))
    oneh = oneh.astype(jnp.float32)
    g = lax.dot_general(oneh, hf, (((0,), (0,)), ((), ())),
                        preferred_element_type=jnp.float32,
                        precision=lax.Precision.HIGHEST)
    g = jnp.maximum(jnp.dot(g, wf1[:], preferred_element_type=jnp.float32)
                    + bf1[:], 0.0)
    g = jnp.maximum(jnp.dot(g, wf2[:], preferred_element_type=jnp.float32)
                    + bf2[:], 0.0)
    g = jnp.maximum(jnp.dot(g, wf3[:], preferred_element_type=jnp.float32)
                    + bf3[:], 0.0)
    out_o[:] = jnp.dot(g, wf4[:], preferred_element_type=jnp.float32) + bf4[:]


_tcd = pl.pallas_call(
    _tcd_body,
    out_shape=jax.ShapeDtypeStruct((G, 1), jnp.float32),
)



def _pad2(a, r, c):
    return jnp.pad(a, ((0, r - a.shape[0]), (0, c - a.shape[1])))


def kernel(x, edge_index, batch, W1, b1, W2, b2, gamma, beta, Wa, Va, ba,
           Wf1, bf1, Wf2, bf2, Wf3, bf3, Wf4, bf4):
    row = edge_index[0].astype(jnp.int32)
    col = edge_index[1].astype(jnp.int32)
    pad = jnp.full((E_PAD - E,), N, jnp.int32)
    rowp = jnp.concatenate([row, pad])
    colp = jnp.concatenate([col, pad])

    x_pad = _pad2(x, N_PAD, F_IN)
    w1p = _pad2(W1, F_IN, D)
    w2p = _pad2(W2, D, D)
    wap = _pad2(Wa, D, D)
    vap = _pad2(Va, D, D)
    b1p = _pad2(b1[None, :], 1, D)
    b2p = _pad2(b2[None, :], 1, D)
    gamp = _pad2(gamma[None, :], 1, D)
    betp = _pad2(beta[None, :], 1, D)
    bap = _pad2(ba[None, :], 1, D)
    wf1p = _pad2(Wf1, D, 256)
    bf1p = _pad2(bf1[None, :], 1, 256)
    wf2p = _pad2(Wf2, 256, 384)
    bf2p = _pad2(bf2[None, :], 1, 384)
    wf3p = _pad2(Wf3, 384, 256)
    bf3p = _pad2(bf3[None, :], 1, 256)
    wf4p = _pad2(Wf4, 256, 1)
    bf4p = bf4[None, :]
    batp = jnp.pad(batch.astype(jnp.int32), (0, N_PAD - N),
                   constant_values=G)[:, None]

    zerosD = jnp.zeros((N_PAD, D), jnp.float32)
    onesD = jnp.ones((N_PAD, D), jnp.float32)

    deg2 = _deg(colp, onesD, zerosD)
    xs, dinv1, dinv2 = _tca(deg2, x_pad)
    acc1 = _prop(xs, rowp, colp, zerosD)
    hs = _tcb(acc1, xs, dinv1, w1p, b1p)
    acc2 = _prop(hs, rowp, colp, zerosD)
    ts, hbn = _tcc(acc2, hs, dinv1, dinv2, w2p, b2p, gamp, betp, wap)
    acc3 = _prop(ts, rowp, colp, zerosD)
    return _tcd(acc3, hbn, dinv2, vap, bap, batp, wf1p, bf1p, wf2p, bf2p,
                wf3p, bf3p, wf4p, bf4p)

# --- scband reference (transcript-rebuilt; emitter-appended) ---
"""Pipeline reference for scband-sgca-14276471292399 (READ-ONLY COPY).

The authoritative reference and input builder live on the scoring server;
editing this copy changes nothing except your own understanding.
"""

import jax, jax.numpy as jnp
import numpy as np

N = 10000
E = 320000
F_IN = 128
DIM = 100
G = 64


def _gcn_norm(edge_index, n, add_self_loops):
    row, col = edge_index[0], edge_index[1]
    if add_self_loops:
        loop = jnp.arange(n, dtype=row.dtype)
        row = jnp.concatenate([row, loop])
        col = jnp.concatenate([col, loop])
    w = jnp.ones(row.shape[0], dtype=jnp.float32)
    deg = jax.ops.segment_sum(w, col, num_segments=n)
    dinv = jnp.where(deg > 0, deg ** -0.5, 0.0)
    norm = dinv[row] * dinv[col]
    return row, col, norm


def setup_inputs(seed: int = 0) -> dict:
    key = jax.random.key(seed)
    ks = jax.random.split(key, 24)
    x = jax.random.normal(ks[0], (N, F_IN), dtype=jnp.float32)
    edge_index = jax.random.randint(ks[1], (2, E), 0, N)
    batch = jnp.sort(jax.random.randint(ks[2], (N,), 0, G))
    s = 0.1
    inp = {
        'x': x, 'edge_index': edge_index, 'batch': batch,
        'W1': jax.random.normal(ks[3], (F_IN, DIM), jnp.float32) * s,
        'b1': jnp.zeros((DIM,), jnp.float32),
        'W2': jax.random.normal(ks[4], (DIM, DIM), jnp.float32) * s,
        'b2': jnp.zeros((DIM,), jnp.float32),
        'gamma': jnp.ones((DIM,), jnp.float32),
        'beta': jnp.zeros((DIM,), jnp.float32),
        'Wa': jax.random.normal(ks[5], (DIM, DIM), jnp.float32) * s,
        'Va': jax.random.normal(ks[6], (DIM, DIM), jnp.float32) * s,
        'ba': jnp.zeros((DIM,), jnp.float32),
        'Wf1': jax.random.normal(ks[7], (DIM, 2 * DIM), jnp.float32) * s,
        'bf1': jnp.zeros((2 * DIM,), jnp.float32),
        'Wf2': jax.random.normal(ks[8], (2 * DIM, 3 * DIM), jnp.float32) * s,
        'bf2': jnp.zeros((3 * DIM,), jnp.float32),
        'Wf3': jax.random.normal(ks[9], (3 * DIM, 2 * DIM), jnp.float32) * s,
        'bf3': jnp.zeros((2 * DIM,), jnp.float32),
        'Wf4': jax.random.normal(ks[10], (2 * DIM, 1), jnp.float32) * s,
        'bf4': jnp.zeros((1,), jnp.float32),
    }
    return inp


def reference(x, edge_index, batch, W1, b1, W2, b2, gamma, beta, Wa, Va, ba,
              Wf1, bf1, Wf2, bf2, Wf3, bf3, Wf4, bf4):
    n = x.shape[0]
    # SGConv layer 1 (K=1): propagate with GCN norm (self-loops), then linear
    row, col, norm = _gcn_norm(edge_index, n, add_self_loops=True)
    h = jax.ops.segment_sum(norm[:, None] * x[row], col, num_segments=n)
    h = jax.nn.relu(h @ W1 + b1)
    # SGConv layer 2
    h2 = jax.ops.segment_sum(norm[:, None] * h[row], col, num_segments=n)
    h = jax.nn.relu(h2 @ W2 + b2)
    # BatchNorm1d (training-mode batch statistics)
    mean = h.mean(axis=0)
    var = h.var(axis=0)
    h = (h - mean) / jnp.sqrt(var + 1e-5) * gamma + beta
    # ARMAConv (num_stacks=1, num_layers=1): relu(L_hat (h W) + h V + b)
    r2, c2, n2 = _gcn_norm(edge_index, n, add_self_loops=False)
    t = h @ Wa
    t = jax.ops.segment_sum(n2[:, None] * t[r2], c2, num_segments=n)
    h = jax.nn.relu(t + h @ Va + ba)
    # global_add_pool over graph batch ids
    g = jax.ops.segment_sum(h, batch, num_segments=G)
    g = jax.nn.relu(g @ Wf1 + bf1)
    g = jax.nn.relu(g @ Wf2 + bf2)
    g = jax.nn.relu(g @ Wf3 + bf3)
    return g @ Wf4 + bf4

if __name__ == "__main__":
    import jax
    _d = setup_inputs()
    print(jax.jit(kernel)(*tuple(_d.values())))

</pallas_src>

<mosaic_0001>
#map = affine_map<(d0, d1) -> (0, 0)>
#map1 = affine_map<(d0, d1) -> (0)>
#map2 = affine_map<(d0, d1) -> (0, 0, 0)>
module attributes {stable_mosaic.version = 14 : i64} {
  func.func @_prop_body(%arg0: i32, %arg1: i32, %arg2: memref<10112x128xf32, #tpu.memory_space<hbm>>, %arg3: memref<323584xi32, #tpu.memory_space<hbm>>, %arg4: memref<323584xi32, #tpu.memory_space<hbm>>, %arg5: memref<10112x128xf32, #tpu.memory_space<hbm>>, %arg6: memref<2x10112x128xf32, #tpu.memory_space<hbm>>, %arg7: memref<10112x128xf32, #tpu.memory_space<vmem_shared>>, %arg8: memref<128xi32, #tpu.memory_space<vmem>>, %arg9: memref<128xi32, #tpu.memory_space<vmem>>, %arg10: memref<128x128xf32, #tpu.memory_space<vmem>>, %arg11: memref<!tpu.dma_semaphore, #tpu.memory_space<semaphore_mem>>) attributes {dimension_semantics = [#tpu.dimension_semantics<core_parallel>, #tpu.dimension_semantics<subcore_parallel>], iteration_bounds = array<i64: 2, 16>, scalar_prefetch = 0 : i64, scratch_operands = 5 : i64, tpu.core_type = #tpu.core_type<sc_vector_subcore>, window_params = [{transform_indices = #map}, {transform_indices = #map1}, {transform_indices = #map1}, {transform_indices = #map}, {transform_indices = #map2}]} {
    %mul3A = arith.constant 632 : i32
    %mul3A_0 = arith.muli %arg1, %mul3A : i32
    %mul3A_1 = arith.constant 632 : i32
    %mul3A_2 = arith.muli %arg1, %mul3A_1 : i32
    "tpu.region"() ({
      %run_scoped3A = tpu.sem_alloc : memref<!tpu.dma_semaphore, #tpu.memory_space<semaphore_mem>>
      %dma_start3A = arith.constant 0 : i32
      %dma_start3A_19 = tpu.memref_slice %arg7[%mul3A_2, %dma_start3A] : memref<10112x128xf32, #tpu.memory_space<vmem_shared>> -> memref<632x128xf32, #tpu.memory_space<vmem_shared>>
      %dma_start3A_20 = arith.constant 0 : i32
      %dma_start3A_21 = tpu.memref_slice %arg5[%mul3A_0, %dma_start3A_20] : memref<10112x128xf32, #tpu.memory_space<hbm>> -> memref<632x128xf32, #tpu.memory_space<hbm>>
      tpu.enqueue_dma source(%dma_start3A_21 : memref<632x128xf32, #tpu.memory_space<hbm>>) target(%dma_start3A_19 : memref<632x128xf32, #tpu.memory_space<vmem_shared>>) target_semaphore(%run_scoped3A : memref<!tpu.dma_semaphore, #tpu.memory_space<semaphore_mem>>)
      %dma_wait3A = arith.constant 0 : i32
      %dma_wait3A_22 = tpu.memref_slice %arg7[%mul3A_2, %dma_wait3A] : memref<10112x128xf32, #tpu.memory_space<vmem_shared>> -> memref<632x128xf32, #tpu.memory_space<vmem_shared>>
      %dma_wait3A_23 = arith.constant 0 : i32
      %dma_wait3A_24 = tpu.memref_slice %arg5[%mul3A_0, %dma_wait3A_23] : memref<10112x128xf32, #tpu.memory_space<hbm>> -> memref<632x128xf32, #tpu.memory_space<hbm>>
      tpu.wait_dma2 semaphore(%run_scoped3A : memref<!tpu.dma_semaphore, #tpu.memory_space<semaphore_mem>>) src(%dma_wait3A_24 : memref<632x128xf32, #tpu.memory_space<hbm>>) dst(%dma_wait3A_22 : memref<632x128xf32, #tpu.memory_space<vmem_shared>>)
      tpu.yield
    }) : () -> ()
    %barrier3A = arith.constant 0 : index
    tpu.barrier barrier_id(%barrier3A)
    %mul3A_3 = arith.constant 16 : i32
    %mul3A_4 = arith.muli %arg0, %mul3A_3 : i32
    %add3A = arith.addi %mul3A_4, %arg1 : i32
    %mul3A_5 = arith.constant 79 : i32
    %mul3A_6 = arith.muli %add3A, %mul3A_5 : i32
    %mul3A_7 = arith.constant 128 : i32
    %mul3A_8 = arith.muli %mul3A_6, %mul3A_7 : i32
    %scan3A = arith.constant 0 : i32
    %scan3A_9 = arith.constant 0 : i32
    %scan3A_10 = arith.constant 79 : i32
    %scan3A_11 = arith.addi %scan3A_9, %scan3A_10 : i32
    %scan3A_12 = arith.constant 1 : i32
    scf.for %scan3A_19 = %scan3A_9 to %scan3A_11 step %scan3A_12  : i32 {
      %mul3A_20 = arith.constant 128 : i32
      %mul3A_21 = arith.muli %scan3A_19, %mul3A_20 : i32
      %add3A_22 = arith.addi %mul3A_8, %mul3A_21 : i32
      "tpu.region"() ({
        %run_scoped3A = tpu.sem_alloc : memref<!tpu.dma_semaphore, #tpu.memory_space<semaphore_mem>>
        %dma_start3A_27 = tpu.memref_slice %arg3[%add3A_22] : memref<323584xi32, #tpu.memory_space<hbm>> -> memref<128xi32, #tpu.memory_space<hbm>>
        %dma_start3A_28 = tpu.memref_slice %arg3[%add3A_22] : memref<323584xi32, #tpu.memory_space<hbm>> -> memref<128xi32, #tpu.memory_space<hbm>>
        tpu.enqueue_dma source(%dma_start3A_28 : memref<128xi32, #tpu.memory_space<hbm>>) target(%arg8 : memref<128xi32, #tpu.memory_space<vmem>>) target_semaphore(%run_scoped3A : memref<!tpu.dma_semaphore, #tpu.memory_space<semaphore_mem>>)
        %dma_wait3A_29 = tpu.memref_slice %arg3[%add3A_22] : memref<323584xi32, #tpu.memory_space<hbm>> -> memref<128xi32, #tpu.memory_space<hbm>>
        %dma_wait3A_30 = tpu.memref_slice %arg3[%add3A_22] : memref<323584xi32, #tpu.memory_space<hbm>> -> memref<128xi32, #tpu.memory_space<hbm>>
        tpu.wait_dma2 semaphore(%run_scoped3A : memref<!tpu.dma_semaphore, #tpu.memory_space<semaphore_mem>>) src(%dma_wait3A_30 : memref<128xi32, #tpu.memory_space<hbm>>) dst(%arg8 : memref<128xi32, #tpu.memory_space<vmem>>)
        tpu.yield
      }) : () -> ()
      "tpu.region"() ({
        %run_scoped3A = tpu.sem_alloc : memref<!tpu.dma_semaphore, #tpu.memory_space<semaphore_mem>>
        %dma_start3A_27 = tpu.memref_slice %arg4[%add3A_22] : memref<323584xi32, #tpu.memory_space<hbm>> -> memref<128xi32, #tpu.memory_space<hbm>>
        %dma_start3A_28 = tpu.memref_slice %arg4[%add3A_22] : memref<323584xi32, #tpu.memory_space<hbm>> -> memref<128xi32, #tpu.memory_space<hbm>>
        tpu.enqueue_dma source(%dma_start3A_28 : memref<128xi32, #tpu.memory_space<hbm>>) target(%arg9 : memref<128xi32, #tpu.memory_space<vmem>>) target_semaphore(%run_scoped3A : memref<!tpu.dma_semaphore, #tpu.memory_space<semaphore_mem>>)
        %dma_wait3A_29 = tpu.memref_slice %arg4[%add3A_22] : memref<323584xi32, #tpu.memory_space<hbm>> -> memref<128xi32, #tpu.memory_space<hbm>>
        %dma_wait3A_30 = tpu.memref_slice %arg4[%add3A_22] : memref<323584xi32, #tpu.memory_space<hbm>> -> memref<128xi32, #tpu.memory_space<hbm>>
        tpu.wait_dma2 semaphore(%run_scoped3A : memref<!tpu.dma_semaphore, #tpu.memory_space<semaphore_mem>>) src(%dma_wait3A_30 : memref<128xi32, #tpu.memory_space<hbm>>) dst(%arg9 : memref<128xi32, #tpu.memory_space<vmem>>)
        tpu.yield
      }) : () -> ()
      %dma_start3A = arith.constant 0 : i32
      %dma_start3A_23 = arith.constant 0 : i32
      %dma_start3A_24 = tpu.memref_slice %arg2[%dma_start3A, %dma_start3A_23] : memref<10112x128xf32, #tpu.memory_space<hbm>> -> memref<10112x128xf32, #tpu.memory_space<hbm>>
      tpu.enqueue_indirect_dma source(%dma_start3A_24 : memref<10112x128xf32, #tpu.memory_space<hbm>>) target(%arg10 : memref<128x128xf32, #tpu.memory_space<vmem>>) offsets(%arg8 : memref<128xi32, #tpu.memory_space<vmem>>) semaphore(%arg11 : memref<!tpu.dma_semaphore, #tpu.memory_space<semaphore_mem>>)
      %dma_wait3A = arith.constant 0 : i32
      %dma_wait3A_25 = arith.constant 0 : i32
      %dma_wait3A_26 = tpu.memref_slice %arg2[%dma_wait3A, %dma_wait3A_25] : memref<10112x128xf32, #tpu.memory_space<hbm>> -> memref<10112x128xf32, #tpu.memory_space<hbm>>
      tpu.wait_indirect_dma semaphore(%arg11 : memref<!tpu.dma_semaphore, #tpu.memory_space<semaphore_mem>>) src(%dma_wait3A_26 : memref<10112x128xf32, #tpu.memory_space<hbm>>) dst(%arg10 : memref<128x128xf32, #tpu.memory_space<vmem>>)
      "tpu.region"() ({
        %run_scoped3A = tpu.sem_alloc : memref<!tpu.dma_semaphore, #tpu.memory_space<semaphore_mem>>
        %dma_start3A_27 = arith.constant 0 : i32
        %dma_start3A_28 = arith.constant 0 : i32
        %dma_start3A_29 = tpu.memref_slice %arg7[%dma_start3A_27, %dma_start3A_28] : memref<10112x128xf32, #tpu.memory_space<vmem_shared>> -> memref<10112x128xf32, #tpu.memory_space<vmem_shared>>
        tpu.enqueue_indirect_dma source(%arg10 : memref<128x128xf32, #tpu.memory_space<vmem>>) target(%dma_start3A_29 : memref<10112x128xf32, #tpu.memory_space<vmem_shared>>) offsets(%arg9 : memref<128xi32, #tpu.memory_space<vmem>>) semaphore(%run_scoped3A : memref<!tpu.dma_semaphore, #tpu.memory_space<semaphore_mem>>) {add = true}
        %dma_wait3A_30 = arith.constant 0 : i32
        %dma_wait3A_31 = arith.constant 0 : i32
        %dma_wait3A_32 = tpu.memref_slice %arg7[%dma_wait3A_30, %dma_wait3A_31] : memref<10112x128xf32, #tpu.memory_space<vmem_shared>> -> memref<10112x128xf32, #tpu.memory_space<vmem_shared>>
        tpu.wait_indirect_dma semaphore(%run_scoped3A : memref<!tpu.dma_semaphore, #tpu.memory_space<semaphore_mem>>) src(%arg10 : memref<128x128xf32, #tpu.memory_space<vmem>>) dst(%dma_wait3A_32 : memref<10112x128xf32, #tpu.memory_space<vmem_shared>>)
        tpu.yield
      }) : () -> ()
    }
    %scan3A_13 = arith.constant 79 : i32
    %barrier3A_14 = arith.constant 0 : index
    tpu.barrier barrier_id(%barrier3A_14)
    %mul3A_15 = arith.constant 632 : i32
    %mul3A_16 = arith.muli %arg1, %mul3A_15 : i32
    %mul3A_17 = arith.constant 632 : i32
    %mul3A_18 = arith.muli %arg1, %mul3A_17 : i32
    "tpu.region"() ({
      %run_scoped3A = tpu.sem_alloc : memref<!tpu.dma_semaphore, #tpu.memory_space<semaphore_mem>>
      %dma_start3A = arith.constant 0 : i32
      %dma_start3A_19 = tpu.memref_slice %arg6[%arg0, %mul3A_18, %dma_start3A] : memref<2x10112x128xf32, #tpu.memory_space<hbm>> -> memref<1x632x128xf32, #tpu.memory_space<hbm>>
      %dma_start3A_20 = tpu.memref_squeeze %dma_start3A_19 : memref<1x632x128xf32, #tpu.memory_space<hbm>> -> memref<632x128xf32, #tpu.memory_space<hbm>>
      %dma_start3A_21 = arith.constant 0 : i32
      %dma_start3A_22 = tpu.memref_slice %arg7[%mul3A_16, %dma_start3A_21] : memref<10112x128xf32, #tpu.memory_space<vmem_shared>> -> memref<632x128xf32, #tpu.memory_space<vmem_shared>>
      tpu.enqueue_dma source(%dma_start3A_22 : memref<632x128xf32, #tpu.memory_space<vmem_shared>>) target(%dma_start3A_20 : memref<632x128xf32, #tpu.memory_space<hbm>>) target_semaphore(%run_scoped3A : memref<!tpu.dma_semaphore, #tpu.memory_space<semaphore_mem>>)
      %dma_wait3A = arith.constant 0 : i32
      %dma_wait3A_23 = tpu.memref_slice %arg6[%arg0, %mul3A_18, %dma_wait3A] : memref<2x10112x128xf32, #tpu.memory_space<hbm>> -> memref<1x632x128xf32, #tpu.memory_space<hbm>>
      %dma_wait3A_24 = tpu.memref_squeeze %dma_wait3A_23 : memref<1x632x128xf32, #tpu.memory_space<hbm>> -> memref<632x128xf32, #tpu.memory_space<hbm>>
      %dma_wait3A_25 = arith.constant 0 : i32
      %dma_wait3A_26 = tpu.memref_slice %arg7[%mul3A_16, %dma_wait3A_25] : memref<10112x128xf32, #tpu.memory_space<vmem_shared>> -> memref<632x128xf32, #tpu.memory_space<vmem_shared>>
      tpu.wait_dma2 semaphore(%run_scoped3A : memref<!tpu.dma_semaphore, #tpu.memory_space<semaphore_mem>>) src(%dma_wait3A_26 : memref<632x128xf32, #tpu.memory_space<vmem_shared>>) dst(%dma_wait3A_24 : memref<632x128xf32, #tpu.memory_space<hbm>>)
      tpu.yield
    }) : () -> ()
    return
  }
}

#map = affine_map<(d0, d1) -> (0, 0)>
#map1 = affine_map<(d0, d1) -> (0)>
#map2 = affine_map<(d0, d1) -> (0, 0, 0)>
module attributes {stable_mosaic.version = 14 : i64} {
  func.func @_prop_body(%arg0: i32, %arg1: i32, %arg2: memref<10112x128xf32, #tpu.memory_space<hbm>>, %arg3: memref<323584xi32, #tpu.memory_space<hbm>>, %arg4: memref<323584xi32, #tpu.memory_space<hbm>>, %arg5: memref<10112x128xf32, #tpu.memory_space<hbm>>, %arg6: memref<2x10112x128xf32, #tpu.memory_space<hbm>>, %arg7: memref<10112x128xf32, #tpu.memory_space<vmem_shared>>, %arg8: memref<128xi32, #tpu.memory_space<vmem>>, %arg9: memref<128xi32, #tpu.memory_space<vmem>>, %arg10: memref<128x128xf32, #tpu.memory_space<vmem>>, %arg11: memref<!tpu.dma_semaphore, #tpu.memory_space<semaphore_mem>>) attributes {dimension_semantics = [#tpu.dimension_semantics<core_parallel>, #tpu.dimension_semantics<subcore_parallel>], iteration_bounds = array<i64: 2, 16>, scalar_prefetch = 0 : i64, scratch_operands = 5 : i64, tpu.core_type = #tpu.core_type<sc_vector_subcore>, window_params = [{transform_indices = #map}, {transform_indices = #map1}, {transform_indices = #map1}, {transform_indices = #map}, {transform_indices = #map2}]} {
    %mul3A = arith.constant 632 : i32
    %mul3A_0 = arith.muli %arg1, %mul3A : i32
    %mul3A_1 = arith.constant 632 : i32
    %mul3A_2 = arith.muli %arg1, %mul3A_1 : i32
    "tpu.region"() ({
      %run_scoped3A = tpu.sem_alloc : memref<!tpu.dma_semaphore, #tpu.memory_space<semaphore_mem>>
      %dma_start3A = arith.constant 0 : i32
      %dma_start3A_19 = tpu.memref_slice %arg7[%mul3A_2, %dma_start3A] : memref<10112x128xf32, #tpu.memory_space<vmem_shared>> -> memref<632x128xf32, #tpu.memory_space<vmem_shared>>
      %dma_start3A_20 = arith.constant 0 : i32
      %dma_start3A_21 = tpu.memref_slice %arg5[%mul3A_0, %dma_start3A_20] : memref<10112x128xf32, #tpu.memory_space<hbm>> -> memref<632x128xf32, #tpu.memory_space<hbm>>
      tpu.enqueue_dma source(%dma_start3A_21 : memref<632x128xf32, #tpu.memory_space<hbm>>) target(%dma_start3A_19 : memref<632x128xf32, #tpu.memory_space<vmem_shared>>) target_semaphore(%run_scoped3A : memref<!tpu.dma_semaphore, #tpu.memory_space<semaphore_mem>>)
      %dma_wait3A = arith.constant 0 : i32
      %dma_wait3A_22 = tpu.memref_slice %arg7[%mul3A_2, %dma_wait3A] : memref<10112x128xf32, #tpu.memory_space<vmem_shared>> -> memref<632x128xf32, #tpu.memory_space<vmem_shared>>
      %dma_wait3A_23 = arith.constant 0 : i32
      %dma_wait3A_24 = tpu.memref_slice %arg5[%mul3A_0, %dma_wait3A_23] : memref<10112x128xf32, #tpu.memory_space<hbm>> -> memref<632x128xf32, #tpu.memory_space<hbm>>
      tpu.wait_dma2 semaphore(%run_scoped3A : memref<!tpu.dma_semaphore, #tpu.memory_space<semaphore_mem>>) src(%dma_wait3A_24 : memref<632x128xf32, #tpu.memory_space<hbm>>) dst(%dma_wait3A_22 : memref<632x128xf32, #tpu.memory_space<vmem_shared>>)
      tpu.yield
    }) : () -> ()
    %barrier3A = arith.constant 0 : index
    tpu.barrier barrier_id(%barrier3A)
    %mul3A_3 = arith.constant 16 : i32
    %mul3A_4 = arith.muli %arg0, %mul3A_3 : i32
    %add3A = arith.addi %mul3A_4, %arg1 : i32
    %mul3A_5 = arith.constant 79 : i32
    %mul3A_6 = arith.muli %add3A, %mul3A_5 : i32
    %mul3A_7 = arith.constant 128 : i32
    %mul3A_8 = arith.muli %mul3A_6, %mul3A_7 : i32
    %scan3A = arith.constant 0 : i32
    %scan3A_9 = arith.constant 0 : i32
    %scan3A_10 = arith.constant 79 : i32
    %scan3A_11 = arith.addi %scan3A_9, %scan3A_10 : i32
    %scan3A_12 = arith.constant 1 : i32
    scf.for %scan3A_19 = %scan3A_9 to %scan3A_11 step %scan3A_12  : i32 {
      %mul3A_20 = arith.constant 128 : i32
      %mul3A_21 = arith.muli %scan3A_19, %mul3A_20 : i32
      %add3A_22 = arith.addi %mul3A_8, %mul3A_21 : i32
      "tpu.region"() ({
        %run_scoped3A = tpu.sem_alloc : memref<!tpu.dma_semaphore, #tpu.memory_space<semaphore_mem>>
        %dma_start3A_27 = tpu.memref_slice %arg3[%add3A_22] : memref<323584xi32, #tpu.memory_space<hbm>> -> memref<128xi32, #tpu.memory_space<hbm>>
        %dma_start3A_28 = tpu.memref_slice %arg3[%add3A_22] : memref<323584xi32, #tpu.memory_space<hbm>> -> memref<128xi32, #tpu.memory_space<hbm>>
        tpu.enqueue_dma source(%dma_start3A_28 : memref<128xi32, #tpu.memory_space<hbm>>) target(%arg8 : memref<128xi32, #tpu.memory_space<vmem>>) target_semaphore(%run_scoped3A : memref<!tpu.dma_semaphore, #tpu.memory_space<semaphore_mem>>)
        %dma_wait3A_29 = tpu.memref_slice %arg3[%add3A_22] : memref<323584xi32, #tpu.memory_space<hbm>> -> memref<128xi32, #tpu.memory_space<hbm>>
        %dma_wait3A_30 = tpu.memref_slice %arg3[%add3A_22] : memref<323584xi32, #tpu.memory_space<hbm>> -> memref<128xi32, #tpu.memory_space<hbm>>
        tpu.wait_dma2 semaphore(%run_scoped3A : memref<!tpu.dma_semaphore, #tpu.memory_space<semaphore_mem>>) src(%dma_wait3A_30 : memref<128xi32, #tpu.memory_space<hbm>>) dst(%arg8 : memref<128xi32, #tpu.memory_space<vmem>>)
        tpu.yield
      }) : () -> ()
      "tpu.region"() ({
        %run_scoped3A = tpu.sem_alloc : memref<!tpu.dma_semaphore, #tpu.memory_space<semaphore_mem>>
        %dma_start3A_27 = tpu.memref_slice %arg4[%add3A_22] : memref<323584xi32, #tpu.memory_space<hbm>> -> memref<128xi32, #tpu.memory_space<hbm>>
        %dma_start3A_28 = tpu.memref_slice %arg4[%add3A_22] : memref<323584xi32, #tpu.memory_space<hbm>> -> memref<128xi32, #tpu.memory_space<hbm>>
        tpu.enqueue_dma source(%dma_start3A_28 : memref<128xi32, #tpu.memory_space<hbm>>) target(%arg9 : memref<128xi32, #tpu.memory_space<vmem>>) target_semaphore(%run_scoped3A : memref<!tpu.dma_semaphore, #tpu.memory_space<semaphore_mem>>)
        %dma_wait3A_29 = tpu.memref_slice %arg4[%add3A_22] : memref<323584xi32, #tpu.memory_space<hbm>> -> memref<128xi32, #tpu.memory_space<hbm>>
        %dma_wait3A_30 = tpu.memref_slice %arg4[%add3A_22] : memref<323584xi32, #tpu.memory_space<hbm>> -> memref<128xi32, #tpu.memory_space<hbm>>
        tpu.wait_dma2 semaphore(%run_scoped3A : memref<!tpu.dma_semaphore, #tpu.memory_space<semaphore_mem>>) src(%dma_wait3A_30 : memref<128xi32, #tpu.memory_space<hbm>>) dst(%arg9 : memref<128xi32, #tpu.memory_space<vmem>>)
        tpu.yield
      }) : () -> ()
      %dma_start3A = arith.constant 0 : i32
      %dma_start3A_23 = arith.constant 0 : i32
      %dma_start3A_24 = tpu.memref_slice %arg2[%dma_start3A, %dma_start3A_23] : memref<10112x128xf32, #tpu.memory_space<hbm>> -> memref<10112x128xf32, #tpu.memory_space<hbm>>
      tpu.enqueue_indirect_dma source(%dma_start3A_24 : memref<10112x128xf32, #tpu.memory_space<hbm>>) target(%arg10 : memref<128x128xf32, #tpu.memory_space<vmem>>) offsets(%arg8 : memref<128xi32, #tpu.memory_space<vmem>>) semaphore(%arg11 : memref<!tpu.dma_semaphore, #tpu.memory_space<semaphore_mem>>)
      %dma_wait3A = arith.constant 0 : i32
      %dma_wait3A_25 = arith.constant 0 : i32
      %dma_wait3A_26 = tpu.memref_slice %arg2[%dma_wait3A, %dma_wait3A_25] : memref<10112x128xf32, #tpu.memory_space<hbm>> -> memref<10112x128xf32, #tpu.memory_space<hbm>>
      tpu.wait_indirect_dma semaphore(%arg11 : memref<!tpu.dma_semaphore, #tpu.memory_space<semaphore_mem>>) src(%dma_wait3A_26 : memref<10112x128xf32, #tpu.memory_space<hbm>>) dst(%arg10 : memref<128x128xf32, #tpu.memory_space<vmem>>)
      "tpu.region"() ({
        %run_scoped3A = tpu.sem_alloc : memref<!tpu.dma_semaphore, #tpu.memory_space<semaphore_mem>>
        %dma_start3A_27 = arith.constant 0 : i32
        %dma_start3A_28 = arith.constant 0 : i32
        %dma_start3A_29 = tpu.memref_slice %arg7[%dma_start3A_27, %dma_start3A_28] : memref<10112x128xf32, #tpu.memory_space<vmem_shared>> -> memref<10112x128xf32, #tpu.memory_space<vmem_shared>>
        tpu.enqueue_indirect_dma source(%arg10 : memref<128x128xf32, #tpu.memory_space<vmem>>) target(%dma_start3A_29 : memref<10112x128xf32, #tpu.memory_space<vmem_shared>>) offsets(%arg9 : memref<128xi32, #tpu.memory_space<vmem>>) semaphore(%run_scoped3A : memref<!tpu.dma_semaphore, #tpu.memory_space<semaphore_mem>>) {add = true}
        %dma_wait3A_30 = arith.constant 0 : i32
        %dma_wait3A_31 = arith.constant 0 : i32
        %dma_wait3A_32 = tpu.memref_slice %arg7[%dma_wait3A_30, %dma_wait3A_31] : memref<10112x128xf32, #tpu.memory_space<vmem_shared>> -> memref<10112x128xf32, #tpu.memory_space<vmem_shared>>
        tpu.wait_indirect_dma semaphore(%run_scoped3A : memref<!tpu.dma_semaphore, #tpu.memory_space<semaphore_mem>>) src(%arg10 : memref<128x128xf32, #tpu.memory_space<vmem>>) dst(%dma_wait3A_32 : memref<10112x128xf32, #tpu.memory_space<vmem_shared>>)
        tpu.yield
      }) : () -> ()
    }
    %scan3A_13 = arith.constant 79 : i32
    %barrier3A_14 = arith.constant 0 : index
    tpu.barrier barrier_id(%barrier3A_14)
    %mul3A_15 = arith.constant 632 : i32
    %mul3A_16 = arith.muli %arg1, %mul3A_15 : i32
    %mul3A_17 = arith.constant 632 : i32
    %mul3A_18 = arith.muli %arg1, %mul3A_17 : i32
    "tpu.region"() ({
      %run_scoped3A = tpu.sem_alloc : memref<!tpu.dma_semaphore, #tpu.memory_space<semaphore_mem>>
      %dma_start3A = arith.constant 0 : i32
      %dma_start3A_19 = tpu.memref_slice %arg6[%arg0, %mul3A_18, %dma_start3A] : memref<2x10112x128xf32, #tpu.memory_space<hbm>> -> memref<1x632x128xf32, #tpu.memory_space<hbm>>
      %dma_start3A_20 = tpu.memref_squeeze %dma_start3A_19 : memref<1x632x128xf32, #tpu.memory_space<hbm>> -> memref<632x128xf32, #tpu.memory_space<hbm>>
      %dma_start3A_21 = arith.constant 0 : i32
      %dma_start3A_22 = tpu.memref_slice %arg7[%mul3A_16, %dma_start3A_21] : memref<10112x128xf32, #tpu.memory_space<vmem_shared>> -> memref<632x128xf32, #tpu.memory_space<vmem_shared>>
      tpu.enqueue_dma source(%dma_start3A_22 : memref<632x128xf32, #tpu.memory_space<vmem_shared>>) target(%dma_start3A_20 : memref<632x128xf32, #tpu.memory_space<hbm>>) target_semaphore(%run_scoped3A : memref<!tpu.dma_semaphore, #tpu.memory_space<semaphore_mem>>)
      %dma_wait3A = arith.constant 0 : i32
      %dma_wait3A_23 = tpu.memref_slice %arg6[%arg0, %mul3A_18, %dma_wait3A] : memref<2x10112x128xf32, #tpu.memory_space<hbm>> -> memref<1x632x128xf32, #tpu.memory_space<hbm>>
      %dma_wait3A_24 = tpu.memref_squeeze %dma_wait3A_23 : memref<1x632x128xf32, #tpu.memory_space<hbm>> -> memref<632x128xf32, #tpu.memory_space<hbm>>
      %dma_wait3A_25 = arith.constant 0 : i32
      %dma_wait3A_26 = tpu.memref_slice %arg7[%mul3A_16, %dma_wait3A_25] : memref<10112x128xf32, #tpu.memory_space<vmem_shared>> -> memref<632x128xf32, #tpu.memory_space<vmem_shared>>
      tpu.wait_dma2 semaphore(%run_scoped3A : memref<!tpu.dma_semaphore, #tpu.memory_space<semaphore_mem>>) src(%dma_wait3A_26 : memref<632x128xf32, #tpu.memory_space<vmem_shared>>) dst(%dma_wait3A_24 : memref<632x128xf32, #tpu.memory_space<hbm>>)
      tpu.yield
    }) : () -> ()
    return
  }
}

#map = affine_map<(d0, d1) -> (0, 0)>
#map1 = affine_map<(d0, d1) -> (0)>
#map2 = affine_map<(d0, d1) -> (0, 0, 0)>
module attributes {stable_mosaic.version = 14 : i64} {
  func.func @_prop_body(%arg0: i32, %arg1: i32, %arg2: memref<10112x128xf32, #tpu.memory_space<hbm>>, %arg3: memref<323584xi32, #tpu.memory_space<hbm>>, %arg4: memref<323584xi32, #tpu.memory_space<hbm>>, %arg5: memref<10112x128xf32, #tpu.memory_space<hbm>>, %arg6: memref<2x10112x128xf32, #tpu.memory_space<hbm>>, %arg7: memref<10112x128xf32, #tpu.memory_space<vmem_shared>>, %arg8: memref<128xi32, #tpu.memory_space<vmem>>, %arg9: memref<128xi32, #tpu.memory_space<vmem>>, %arg10: memref<128x128xf32, #tpu.memory_space<vmem>>, %arg11: memref<!tpu.dma_semaphore, #tpu.memory_space<semaphore_mem>>) attributes {dimension_semantics = [#tpu.dimension_semantics<core_parallel>, #tpu.dimension_semantics<subcore_parallel>], iteration_bounds = array<i64: 2, 16>, scalar_prefetch = 0 : i64, scratch_operands = 5 : i64, tpu.core_type = #tpu.core_type<sc_vector_subcore>, window_params = [{transform_indices = #map}, {transform_indices = #map1}, {transform_indices = #map1}, {transform_indices = #map}, {transform_indices = #map2}]} {
    %mul3A = arith.constant 632 : i32
    %mul3A_0 = arith.muli %arg1, %mul3A : i32
    %mul3A_1 = arith.constant 632 : i32
    %mul3A_2 = arith.muli %arg1, %mul3A_1 : i32
    "tpu.region"() ({
      %run_scoped3A = tpu.sem_alloc : memref<!tpu.dma_semaphore, #tpu.memory_space<semaphore_mem>>
      %dma_start3A = arith.constant 0 : i32
      %dma_start3A_19 = tpu.memref_slice %arg7[%mul3A_2, %dma_start3A] : memref<10112x128xf32, #tpu.memory_space<vmem_shared>> -> memref<632x128xf32, #tpu.memory_space<vmem_shared>>
      %dma_start3A_20 = arith.constant 0 : i32
      %dma_start3A_21 = tpu.memref_slice %arg5[%mul3A_0, %dma_start3A_20] : memref<10112x128xf32, #tpu.memory_space<hbm>> -> memref<632x128xf32, #tpu.memory_space<hbm>>
      tpu.enqueue_dma source(%dma_start3A_21 : memref<632x128xf32, #tpu.memory_space<hbm>>) target(%dma_start3A_19 : memref<632x128xf32, #tpu.memory_space<vmem_shared>>) target_semaphore(%run_scoped3A : memref<!tpu.dma_semaphore, #tpu.memory_space<semaphore_mem>>)
      %dma_wait3A = arith.constant 0 : i32
      %dma_wait3A_22 = tpu.memref_slice %arg7[%mul3A_2, %dma_wait3A] : memref<10112x128xf32, #tpu.memory_space<vmem_shared>> -> memref<632x128xf32, #tpu.memory_space<vmem_shared>>
      %dma_wait3A_23 = arith.constant 0 : i32
      %dma_wait3A_24 = tpu.memref_slice %arg5[%mul3A_0, %dma_wait3A_23] : memref<10112x128xf32, #tpu.memory_space<hbm>> -> memref<632x128xf32, #tpu.memory_space<hbm>>
      tpu.wait_dma2 semaphore(%run_scoped3A : memref<!tpu.dma_semaphore, #tpu.memory_space<semaphore_mem>>) src(%dma_wait3A_24 : memref<632x128xf32, #tpu.memory_space<hbm>>) dst(%dma_wait3A_22 : memref<632x128xf32, #tpu.memory_space<vmem_shared>>)
      tpu.yield
    }) : () -> ()
    %barrier3A = arith.constant 0 : index
    tpu.barrier barrier_id(%barrier3A)
    %mul3A_3 = arith.constant 16 : i32
    %mul3A_4 = arith.muli %arg0, %mul3A_3 : i32
    %add3A = arith.addi %mul3A_4, %arg1 : i32
    %mul3A_5 = arith.constant 79 : i32
    %mul3A_6 = arith.muli %add3A, %mul3A_5 : i32
    %mul3A_7 = arith.constant 128 : i32
    %mul3A_8 = arith.muli %mul3A_6, %mul3A_7 : i32
    %scan3A = arith.constant 0 : i32
    %scan3A_9 = arith.constant 0 : i32
    %scan3A_10 = arith.constant 79 : i32
    %scan3A_11 = arith.addi %scan3A_9, %scan3A_10 : i32
    %scan3A_12 = arith.constant 1 : i32
    scf.for %scan3A_19 = %scan3A_9 to %scan3A_11 step %scan3A_12  : i32 {
      %mul3A_20 = arith.constant 128 : i32
      %mul3A_21 = arith.muli %scan3A_19, %mul3A_20 : i32
      %add3A_22 = arith.addi %mul3A_8, %mul3A_21 : i32
      "tpu.region"() ({
        %run_scoped3A = tpu.sem_alloc : memref<!tpu.dma_semaphore, #tpu.memory_space<semaphore_mem>>
        %dma_start3A_27 = tpu.memref_slice %arg3[%add3A_22] : memref<323584xi32, #tpu.memory_space<hbm>> -> memref<128xi32, #tpu.memory_space<hbm>>
        %dma_start3A_28 = tpu.memref_slice %arg3[%add3A_22] : memref<323584xi32, #tpu.memory_space<hbm>> -> memref<128xi32, #tpu.memory_space<hbm>>
        tpu.enqueue_dma source(%dma_start3A_28 : memref<128xi32, #tpu.memory_space<hbm>>) target(%arg8 : memref<128xi32, #tpu.memory_space<vmem>>) target_semaphore(%run_scoped3A : memref<!tpu.dma_semaphore, #tpu.memory_space<semaphore_mem>>)
        %dma_wait3A_29 = tpu.memref_slice %arg3[%add3A_22] : memref<323584xi32, #tpu.memory_space<hbm>> -> memref<128xi32, #tpu.memory_space<hbm>>
        %dma_wait3A_30 = tpu.memref_slice %arg3[%add3A_22] : memref<323584xi32, #tpu.memory_space<hbm>> -> memref<128xi32, #tpu.memory_space<hbm>>
        tpu.wait_dma2 semaphore(%run_scoped3A : memref<!tpu.dma_semaphore, #tpu.memory_space<semaphore_mem>>) src(%dma_wait3A_30 : memref<128xi32, #tpu.memory_space<hbm>>) dst(%arg8 : memref<128xi32, #tpu.memory_space<vmem>>)
        tpu.yield
      }) : () -> ()
      "tpu.region"() ({
        %run_scoped3A = tpu.sem_alloc : memref<!tpu.dma_semaphore, #tpu.memory_space<semaphore_mem>>
        %dma_start3A_27 = tpu.memref_slice %arg4[%add3A_22] : memref<323584xi32, #tpu.memory_space<hbm>> -> memref<128xi32, #tpu.memory_space<hbm>>
        %dma_start3A_28 = tpu.memref_slice %arg4[%add3A_22] : memref<323584xi32, #tpu.memory_space<hbm>> -> memref<128xi32, #tpu.memory_space<hbm>>
        tpu.enqueue_dma source(%dma_start3A_28 : memref<128xi32, #tpu.memory_space<hbm>>) target(%arg9 : memref<128xi32, #tpu.memory_space<vmem>>) target_semaphore(%run_scoped3A : memref<!tpu.dma_semaphore, #tpu.memory_space<semaphore_mem>>)
        %dma_wait3A_29 = tpu.memref_slice %arg4[%add3A_22] : memref<323584xi32, #tpu.memory_space<hbm>> -> memref<128xi32, #tpu.memory_space<hbm>>
        %dma_wait3A_30 = tpu.memref_slice %arg4[%add3A_22] : memref<323584xi32, #tpu.memory_space<hbm>> -> memref<128xi32, #tpu.memory_space<hbm>>
        tpu.wait_dma2 semaphore(%run_scoped3A : memref<!tpu.dma_semaphore, #tpu.memory_space<semaphore_mem>>) src(%dma_wait3A_30 : memref<128xi32, #tpu.memory_space<hbm>>) dst(%arg9 : memref<128xi32, #tpu.memory_space<vmem>>)
        tpu.yield
      }) : () -> ()
      %dma_start3A = arith.constant 0 : i32
      %dma_start3A_23 = arith.constant 0 : i32
      %dma_start3A_24 = tpu.memref_slice %arg2[%dma_start3A, %dma_start3A_23] : memref<10112x128xf32, #tpu.memory_space<hbm>> -> memref<10112x128xf32, #tpu.memory_space<hbm>>
      tpu.enqueue_indirect_dma source(%dma_start3A_24 : memref<10112x128xf32, #tpu.memory_space<hbm>>) target(%arg10 : memref<128x128xf32, #tpu.memory_space<vmem>>) offsets(%arg8 : memref<128xi32, #tpu.memory_space<vmem>>) semaphore(%arg11 : memref<!tpu.dma_semaphore, #tpu.memory_space<semaphore_mem>>)
      %dma_wait3A = arith.constant 0 : i32
      %dma_wait3A_25 = arith.constant 0 : i32
      %dma_wait3A_26 = tpu.memref_slice %arg2[%dma_wait3A, %dma_wait3A_25] : memref<10112x128xf32, #tpu.memory_space<hbm>> -> memref<10112x128xf32, #tpu.memory_space<hbm>>
      tpu.wait_indirect_dma semaphore(%arg11 : memref<!tpu.dma_semaphore, #tpu.memory_space<semaphore_mem>>) src(%dma_wait3A_26 : memref<10112x128xf32, #tpu.memory_space<hbm>>) dst(%arg10 : memref<128x128xf32, #tpu.memory_space<vmem>>)
      "tpu.region"() ({
        %run_scoped3A = tpu.sem_alloc : memref<!tpu.dma_semaphore, #tpu.memory_space<semaphore_mem>>
        %dma_start3A_27 = arith.constant 0 : i32
        %dma_start3A_28 = arith.constant 0 : i32
        %dma_start3A_29 = tpu.memref_slice %arg7[%dma_start3A_27, %dma_start3A_28] : memref<10112x128xf32, #tpu.memory_space<vmem_shared>> -> memref<10112x128xf32, #tpu.memory_space<vmem_shared>>
        tpu.enqueue_indirect_dma source(%arg10 : memref<128x128xf32, #tpu.memory_space<vmem>>) target(%dma_start3A_29 : memref<10112x128xf32, #tpu.memory_space<vmem_shared>>) offsets(%arg9 : memref<128xi32, #tpu.memory_space<vmem>>) semaphore(%run_scoped3A : memref<!tpu.dma_semaphore, #tpu.memory_space<semaphore_mem>>) {add = true}
        %dma_wait3A_30 = arith.constant 0 : i32
        %dma_wait3A_31 = arith.constant 0 : i32
        %dma_wait3A_32 = tpu.memref_slice %arg7[%dma_wait3A_30, %dma_wait3A_31] : memref<10112x128xf32, #tpu.memory_space<vmem_shared>> -> memref<10112x128xf32, #tpu.memory_space<vmem_shared>>
        tpu.wait_indirect_dma semaphore(%run_scoped3A : memref<!tpu.dma_semaphore, #tpu.memory_space<semaphore_mem>>) src(%arg10 : memref<128x128xf32, #tpu.memory_space<vmem>>) dst(%dma_wait3A_32 : memref<10112x128xf32, #tpu.memory_space<vmem_shared>>)
        tpu.yield
      }) : () -> ()
    }
    %scan3A_13 = arith.constant 79 : i32
    %barrier3A_14 = arith.constant 0 : index
    tpu.barrier barrier_id(%barrier3A_14)
    %mul3A_15 = arith.constant 632 : i32
    %mul3A_16 = arith.muli %arg1, %mul3A_15 : i32
    %mul3A_17 = arith.constant 632 : i32
    %mul3A_18 = arith.muli %arg1, %mul3A_17 : i32
    "tpu.region"() ({
      %run_scoped3A = tpu.sem_alloc : memref<!tpu.dma_semaphore, #tpu.memory_space<semaphore_mem>>
      %dma_start3A = arith.constant 0 : i32
      %dma_start3A_19 = tpu.memref_slice %arg6[%arg0, %mul3A_18, %dma_start3A] : memref<2x10112x128xf32, #tpu.memory_space<hbm>> -> memref<1x632x128xf32, #tpu.memory_space<hbm>>
      %dma_start3A_20 = tpu.memref_squeeze %dma_start3A_19 : memref<1x632x128xf32, #tpu.memory_space<hbm>> -> memref<632x128xf32, #tpu.memory_space<hbm>>
      %dma_start3A_21 = arith.constant 0 : i32
      %dma_start3A_22 = tpu.memref_slice %arg7[%mul3A_16, %dma_start3A_21] : memref<10112x128xf32, #tpu.memory_space<vmem_shared>> -> memref<632x128xf32, #tpu.memory_space<vmem_shared>>
      tpu.enqueue_dma source(%dma_start3A_22 : memref<632x128xf32, #tpu.memory_space<vmem_shared>>) target(%dma_start3A_20 : memref<632x128xf32, #tpu.memory_space<hbm>>) target_semaphore(%run_scoped3A : memref<!tpu.dma_semaphore, #tpu.memory_space<semaphore_mem>>)
      %dma_wait3A = arith.constant 0 : i32
      %dma_wait3A_23 = tpu.memref_slice %arg6[%arg0, %mul3A_18, %dma_wait3A] : memref<2x10112x128xf32, #tpu.memory_space<hbm>> -> memref<1x632x128xf32, #tpu.memory_space<hbm>>
      %dma_wait3A_24 = tpu.memref_squeeze %dma_wait3A_23 : memref<1x632x128xf32, #tpu.memory_space<hbm>> -> memref<632x128xf32, #tpu.memory_space<hbm>>
      %dma_wait3A_25 = arith.constant 0 : i32
      %dma_wait3A_26 = tpu.memref_slice %arg7[%mul3A_16, %dma_wait3A_25] : memref<10112x128xf32, #tpu.memory_space<vmem_shared>> -> memref<632x128xf32, #tpu.memory_space<vmem_shared>>
      tpu.wait_dma2 semaphore(%run_scoped3A : memref<!tpu.dma_semaphore, #tpu.memory_space<semaphore_mem>>) src(%dma_wait3A_26 : memref<632x128xf32, #tpu.memory_space<vmem_shared>>) dst(%dma_wait3A_24 : memref<632x128xf32, #tpu.memory_space<hbm>>)
      tpu.yield
    }) : () -> ()
    return
  }
}

#map = affine_map<(d0, d1) -> (0, 0)>
#map1 = affine_map<(d0, d1) -> (0)>
#map2 = affine_map<(d0, d1) -> (0, 0, 0)>
module attributes {stable_mosaic.version = 14 : i64} {
  func.func @_prop_body(%arg0: i32, %arg1: i32, %arg2: memref<10112x128xf32, #tpu.memory_space<hbm>>, %arg3: memref<323584xi32, #tpu.memory_space<hbm>>, %arg4: memref<323584xi32, #tpu.memory_space<hbm>>, %arg5: memref<10112x128xf32, #tpu.memory_space<hbm>>, %arg6: memref<2x10112x128xf32, #tpu.memory_space<hbm>>, %arg7: memref<10112x128xf32, #tpu.memory_space<vmem_shared>>, %arg8: memref<128xi32, #tpu.memory_space<vmem>>, %arg9: memref<128xi32, #tpu.memory_space<vmem>>, %arg10: memref<128x128xf32, #tpu.memory_space<vmem>>, %arg11: memref<!tpu.dma_semaphore, #tpu.memory_space<semaphore_mem>>) attributes {dimension_semantics = [#tpu.dimension_semantics<core_parallel>, #tpu.dimension_semantics<subcore_parallel>], iteration_bounds = array<i64: 2, 16>, scalar_prefetch = 0 : i64, scratch_operands = 5 : i64, tpu.core_type = #tpu.core_type<sc_vector_subcore>, window_params = [{transform_indices = #map}, {transform_indices = #map1}, {transform_indices = #map1}, {transform_indices = #map}, {transform_indices = #map2}]} {
    %mul3A = arith.constant 632 : i32
    %mul3A_0 = arith.muli %arg1, %mul3A : i32
    %mul3A_1 = arith.constant 632 : i32
    %mul3A_2 = arith.muli %arg1, %mul3A_1 : i32
    "tpu.region"() ({
      %run_scoped3A = tpu.sem_alloc : memref<!tpu.dma_semaphore, #tpu.memory_space<semaphore_mem>>
      %dma_start3A = arith.constant 0 : i32
      %dma_start3A_19 = tpu.memref_slice %arg7[%mul3A_2, %dma_start3A] : memref<10112x128xf32, #tpu.memory_space<vmem_shared>> -> memref<632x128xf32, #tpu.memory_space<vmem_shared>>
      %dma_start3A_20 = arith.constant 0 : i32
      %dma_start3A_21 = tpu.memref_slice %arg5[%mul3A_0, %dma_start3A_20] : memref<10112x128xf32, #tpu.memory_space<hbm>> -> memref<632x128xf32, #tpu.memory_space<hbm>>
      tpu.enqueue_dma source(%dma_start3A_21 : memref<632x128xf32, #tpu.memory_space<hbm>>) target(%dma_start3A_19 : memref<632x128xf32, #tpu.memory_space<vmem_shared>>) target_semaphore(%run_scoped3A : memref<!tpu.dma_semaphore, #tpu.memory_space<semaphore_mem>>)
      %dma_wait3A = arith.constant 0 : i32
      %dma_wait3A_22 = tpu.memref_slice %arg7[%mul3A_2, %dma_wait3A] : memref<10112x128xf32, #tpu.memory_space<vmem_shared>> -> memref<632x128xf32, #tpu.memory_space<vmem_shared>>
      %dma_wait3A_23 = arith.constant 0 : i32
      %dma_wait3A_24 = tpu.memref_slice %arg5[%mul3A_0, %dma_wait3A_23] : memref<10112x128xf32, #tpu.memory_space<hbm>> -> memref<632x128xf32, #tpu.memory_space<hbm>>
      tpu.wait_dma2 semaphore(%run_scoped3A : memref<!tpu.dma_semaphore, #tpu.memory_space<semaphore_mem>>) src(%dma_wait3A_24 : memref<632x128xf32, #tpu.memory_space<hbm>>) dst(%dma_wait3A_22 : memref<632x128xf32, #tpu.memory_space<vmem_shared>>)
      tpu.yield
    }) : () -> ()
    %barrier3A = arith.constant 0 : index
    tpu.barrier barrier_id(%barrier3A)
    %mul3A_3 = arith.constant 16 : i32
    %mul3A_4 = arith.muli %arg0, %mul3A_3 : i32
    %add3A = arith.addi %mul3A_4, %arg1 : i32
    %mul3A_5 = arith.constant 79 : i32
    %mul3A_6 = arith.muli %add3A, %mul3A_5 : i32
    %mul3A_7 = arith.constant 128 : i32
    %mul3A_8 = arith.muli %mul3A_6, %mul3A_7 : i32
    %scan3A = arith.constant 0 : i32
    %scan3A_9 = arith.constant 0 : i32
    %scan3A_10 = arith.constant 79 : i32
    %scan3A_11 = arith.addi %scan3A_9, %scan3A_10 : i32
    %scan3A_12 = arith.constant 1 : i32
    scf.for %scan3A_19 = %scan3A_9 to %scan3A_11 step %scan3A_12  : i32 {
      %mul3A_20 = arith.constant 128 : i32
      %mul3A_21 = arith.muli %scan3A_19, %mul3A_20 : i32
      %add3A_22 = arith.addi %mul3A_8, %mul3A_21 : i32
      "tpu.region"() ({
        %run_scoped3A = tpu.sem_alloc : memref<!tpu.dma_semaphore, #tpu.memory_space<semaphore_mem>>
        %dma_start3A_27 = tpu.memref_slice %arg3[%add3A_22] : memref<323584xi32, #tpu.memory_space<hbm>> -> memref<128xi32, #tpu.memory_space<hbm>>
        %dma_start3A_28 = tpu.memref_slice %arg3[%add3A_22] : memref<323584xi32, #tpu.memory_space<hbm>> -> memref<128xi32, #tpu.memory_space<hbm>>
        tpu.enqueue_dma source(%dma_start3A_28 : memref<128xi32, #tpu.memory_space<hbm>>) target(%arg8 : memref<128xi32, #tpu.memory_space<vmem>>) target_semaphore(%run_scoped3A : memref<!tpu.dma_semaphore, #tpu.memory_space<semaphore_mem>>)
        %dma_wait3A_29 = tpu.memref_slice %arg3[%add3A_22] : memref<323584xi32, #tpu.memory_space<hbm>> -> memref<128xi32, #tpu.memory_space<hbm>>
        %dma_wait3A_30 = tpu.memref_slice %arg3[%add3A_22] : memref<323584xi32, #tpu.memory_space<hbm>> -> memref<128xi32, #tpu.memory_space<hbm>>
        tpu.wait_dma2 semaphore(%run_scoped3A : memref<!tpu.dma_semaphore, #tpu.memory_space<semaphore_mem>>) src(%dma_wait3A_30 : memref<128xi32, #tpu.memory_space<hbm>>) dst(%arg8 : memref<128xi32, #tpu.memory_space<vmem>>)
        tpu.yield
      }) : () -> ()
      "tpu.region"() ({
        %run_scoped3A = tpu.sem_alloc : memref<!tpu.dma_semaphore, #tpu.memory_space<semaphore_mem>>
        %dma_start3A_27 = tpu.memref_slice %arg4[%add3A_22] : memref<323584xi32, #tpu.memory_space<hbm>> -> memref<128xi32, #tpu.memory_space<hbm>>
        %dma_start3A_28 = tpu.memref_slice %arg4[%add3A_22] : memref<323584xi32, #tpu.memory_space<hbm>> -> memref<128xi32, #tpu.memory_space<hbm>>
        tpu.enqueue_dma source(%dma_start3A_28 : memref<128xi32, #tpu.memory_space<hbm>>) target(%arg9 : memref<128xi32, #tpu.memory_space<vmem>>) target_semaphore(%run_scoped3A : memref<!tpu.dma_semaphore, #tpu.memory_space<semaphore_mem>>)
        %dma_wait3A_29 = tpu.memref_slice %arg4[%add3A_22] : memref<323584xi32, #tpu.memory_space<hbm>> -> memref<128xi32, #tpu.memory_space<hbm>>
        %dma_wait3A_30 = tpu.memref_slice %arg4[%add3A_22] : memref<323584xi32, #tpu.memory_space<hbm>> -> memref<128xi32, #tpu.memory_space<hbm>>
        tpu.wait_dma2 semaphore(%run_scoped3A : memref<!tpu.dma_semaphore, #tpu.memory_space<semaphore_mem>>) src(%dma_wait3A_30 : memref<128xi32, #tpu.memory_space<hbm>>) dst(%arg9 : memref<128xi32, #tpu.memory_space<vmem>>)
        tpu.yield
      }) : () -> ()
      %dma_start3A = arith.constant 0 : i32
      %dma_start3A_23 = arith.constant 0 : i32
      %dma_start3A_24 = tpu.memref_slice %arg2[%dma_start3A, %dma_start3A_23] : memref<10112x128xf32, #tpu.memory_space<hbm>> -> memref<10112x128xf32, #tpu.memory_space<hbm>>
      tpu.enqueue_indirect_dma source(%dma_start3A_24 : memref<10112x128xf32, #tpu.memory_space<hbm>>) target(%arg10 : memref<128x128xf32, #tpu.memory_space<vmem>>) offsets(%arg8 : memref<128xi32, #tpu.memory_space<vmem>>) semaphore(%arg11 : memref<!tpu.dma_semaphore, #tpu.memory_space<semaphore_mem>>)
      %dma_wait3A = arith.constant 0 : i32
      %dma_wait3A_25 = arith.constant 0 : i32
      %dma_wait3A_26 = tpu.memref_slice %arg2[%dma_wait3A, %dma_wait3A_25] : memref<10112x128xf32, #tpu.memory_space<hbm>> -> memref<10112x128xf32, #tpu.memory_space<hbm>>
      tpu.wait_indirect_dma semaphore(%arg11 : memref<!tpu.dma_semaphore, #tpu.memory_space<semaphore_mem>>) src(%dma_wait3A_26 : memref<10112x128xf32, #tpu.memory_space<hbm>>) dst(%arg10 : memref<128x128xf32, #tpu.memory_space<vmem>>)
      "tpu.region"() ({
        %run_scoped3A = tpu.sem_alloc : memref<!tpu.dma_semaphore, #tpu.memory_space<semaphore_mem>>
        %dma_start3A_27 = arith.constant 0 : i32
        %dma_start3A_28 = arith.constant 0 : i32
        %dma_start3A_29 = tpu.memref_slice %arg7[%dma_start3A_27, %dma_start3A_28] : memref<10112x128xf32, #tpu.memory_space<vmem_shared>> -> memref<10112x128xf32, #tpu.memory_space<vmem_shared>>
        tpu.enqueue_indirect_dma source(%arg10 : memref<128x128xf32, #tpu.memory_space<vmem>>) target(%dma_start3A_29 : memref<10112x128xf32, #tpu.memory_space<vmem_shared>>) offsets(%arg9 : memref<128xi32, #tpu.memory_space<vmem>>) semaphore(%run_scoped3A : memref<!tpu.dma_semaphore, #tpu.memory_space<semaphore_mem>>) {add = true}
        %dma_wait3A_30 = arith.constant 0 : i32
        %dma_wait3A_31 = arith.constant 0 : i32
        %dma_wait3A_32 = tpu.memref_slice %arg7[%dma_wait3A_30, %dma_wait3A_31] : memref<10112x128xf32, #tpu.memory_space<vmem_shared>> -> memref<10112x128xf32, #tpu.memory_space<vmem_shared>>
        tpu.wait_indirect_dma semaphore(%run_scoped3A : memref<!tpu.dma_semaphore, #tpu.memory_space<semaphore_mem>>) src(%arg10 : memref<128x128xf32, #tpu.memory_space<vmem>>) dst(%dma_wait3A_32 : memref<10112x128xf32, #tpu.memory_space<vmem_shared>>)
        tpu.yield
      }) : () -> ()
    }
    %scan3A_13 = arith.constant 79 : i32
    %barrier3A_14 = arith.constant 0 : index
    tpu.barrier barrier_id(%barrier3A_14)
    %mul3A_15 = arith.constant 632 : i32
    %mul3A_16 = arith.muli %arg1, %mul3A_15 : i32
    %mul3A_17 = arith.constant 632 : i32
    %mul3A_18 = arith.muli %arg1, %mul3A_17 : i32
    "tpu.region"() ({
      %run_scoped3A = tpu.sem_alloc : memref<!tpu.dma_semaphore, #tpu.memory_space<semaphore_mem>>
      %dma_start3A = arith.constant 0 : i32
      %dma_start3A_19 = tpu.memref_slice %arg6[%arg0, %mul3A_18, %dma_start3A] : memref<2x10112x128xf32, #tpu.memory_space<hbm>> -> memref<1x632x128xf32, #tpu.memory_space<hbm>>
      %dma_start3A_20 = tpu.memref_squeeze %dma_start3A_19 : memref<1x632x128xf32, #tpu.memory_space<hbm>> -> memref<632x128xf32, #tpu.memory_space<hbm>>
      %dma_start3A_21 = arith.constant 0 : i32
      %dma_start3A_22 = tpu.memref_slice %arg7[%mul3A_16, %dma_start3A_21] : memref<10112x128xf32, #tpu.memory_space<vmem_shared>> -> memref<632x128xf32, #tpu.memory_space<vmem_shared>>
      tpu.enqueue_dma source(%dma_start3A_22 : memref<632x128xf32, #tpu.memory_space<vmem_shared>>) target(%dma_start3A_20 : memref<632x128xf32, #tpu.memory_space<hbm>>) target_semaphore(%run_scoped3A : memref<!tpu.dma_semaphore, #tpu.memory_space<semaphore_mem>>)
      %dma_wait3A = arith.constant 0 : i32
      %dma_wait3A_23 = tpu.memref_slice %arg6[%arg0, %mul3A_18, %dma_wait3A] : memref<2x10112x128xf32, #tpu.memory_space<hbm>> -> memref<1x632x128xf32, #tpu.memory_space<hbm>>
      %dma_wait3A_24 = tpu.memref_squeeze %dma_wait3A_23 : memref<1x632x128xf32, #tpu.memory_space<hbm>> -> memref<632x128xf32, #tpu.memory_space<hbm>>
      %dma_wait3A_25 = arith.constant 0 : i32
      %dma_wait3A_26 = tpu.memref_slice %arg7[%mul3A_16, %dma_wait3A_25] : memref<10112x128xf32, #tpu.memory_space<vmem_shared>> -> memref<632x128xf32, #tpu.memory_space<vmem_shared>>
      tpu.wait_dma2 semaphore(%run_scoped3A : memref<!tpu.dma_semaphore, #tpu.memory_space<semaphore_mem>>) src(%dma_wait3A_26 : memref<632x128xf32, #tpu.memory_space<vmem_shared>>) dst(%dma_wait3A_24 : memref<632x128xf32, #tpu.memory_space<hbm>>)
      tpu.yield
    }) : () -> ()
    return
  }
}

module attributes {stable_mosaic.version = 14 : i64} {
  func.func @_tca_body(%arg0: memref<2x10112x128xf32, #tpu.memory_space<vmem>>, %arg1: memref<10112x128xf32, #tpu.memory_space<vmem>>, %arg2: memref<10112x128xf32, #tpu.memory_space<vmem>>, %arg3: memref<10112x1xf32, #tpu.memory_space<vmem>>, %arg4: memref<10112x1xf32, #tpu.memory_space<vmem>>) attributes {dimension_semantics = [], scalar_prefetch = 0 : i64, scratch_operands = 0 : i64, tpu.core_type = #tpu.core_type<tc>} {
    %get3A = arith.constant 0 : index
    %get3A_0 = arith.constant 0 : index
    %get3A_1 = arith.constant 0 : index
    %get3A_2 = vector.load %arg0[%get3A, %get3A_0, %get3A_1] : memref<2x10112x128xf32, #tpu.memory_space<vmem>>, vector<1x10112x1xf32>
    %get3A_3 = vector.shape_cast %get3A_2 : vector<1x10112x1xf32> to vector<10112x1xf32>
    %get3A_4 = arith.constant 1 : index
    %get3A_5 = arith.constant 0 : index
    %get3A_6 = arith.constant 0 : index
    %get3A_7 = vector.load %arg0[%get3A_4, %get3A_5, %get3A_6] : memref<2x10112x128xf32, #tpu.memory_space<vmem>>, vector<1x10112x1xf32>
    %get3A_8 = vector.shape_cast %get3A_7 : vector<1x10112x1xf32> to vector<10112x1xf32>
    %add3A = arith.addf %get3A_3, %get3A_8 : vector<10112x1xf32>
    %add3A_9 = arith.constant 1.000000e+00 : f32
    %add3A_10 = vector.broadcast %add3A_9 : f32 to vector<10112x1xf32>
    %add3A_11 = arith.addf %add3A, %add3A_10 : vector<10112x1xf32>
    %sqrt3A = math.sqrt %add3A_11 : vector<10112x1xf32>
    %div3A = arith.constant 1.000000e+00 : f32
    %div3A_12 = vector.broadcast %div3A : f32 to vector<10112x1xf32>
    %div3A_13 = arith.divf %div3A_12, %sqrt3A : vector<10112x1xf32>
    %gt3A = arith.constant 0.000000e+00 : f32
    %gt3A_14 = vector.broadcast %gt3A : f32 to vector<10112x1xf32>
    %gt3A_15 = arith.cmpf ogt, %add3A, %gt3A_14 : vector<10112x1xf32>
    %max3A = arith.constant 1.000000e+00 : f32
    %max3A_16 = vector.broadcast %max3A : f32 to vector<10112x1xf32>
    %max3A_17 = arith.maximumf %add3A, %max3A_16 : vector<10112x1xf32>
    %sqrt3A_18 = math.sqrt %max3A_17 : vector<10112x1xf32>
    %div3A_19 = arith.constant 1.000000e+00 : f32
    %div3A_20 = vector.broadcast %div3A_19 : f32 to vector<10112x1xf32>
    %div3A_21 = arith.divf %div3A_20, %sqrt3A_18 : vector<10112x1xf32>
    %jit3A = arith.constant 0.000000e+00 : f32
    %broadcast_in_dim3A = vector.broadcast %jit3A : f32 to vector<10112x1xf32>
    %select_n3A = arith.select %gt3A_15, %div3A_21, %broadcast_in_dim3A : vector<10112x1xi1>, vector<10112x1xf32>
    %get3A_22 = arith.constant 0 : index
    %get3A_23 = arith.constant 0 : index
    %get3A_24 = vector.load %arg1[%get3A_22, %get3A_23] : memref<10112x128xf32, #tpu.memory_space<vmem>>, vector<10112x128xf32>
    %mul3A = vector.broadcast %div3A_13 : vector<10112x1xf32> to vector<10112x128xf32>
    %mul3A_25 = arith.mulf %mul3A, %get3A_24 : vector<10112x128xf32>
    %swap3A = arith.constant 0 : index
    %swap3A_26 = arith.constant 0 : index
    %swap3A_27 = vector.load %arg2[%swap3A, %swap3A_26] : memref<10112x128xf32, #tpu.memory_space<vmem>>, vector<10112x128xf32>
    tpu.vector_store %arg2[%swap3A, %swap3A_26], %mul3A_25 {strides = array<i32>} : memref<10112x128xf32, #tpu.memory_space<vmem>>, vector<10112x128xf32>,
    %swap3A_28 = arith.constant 0 : index
    %swap3A_29 = arith.constant 0 : index
    %swap3A_30 = vector.load %arg3[%swap3A_28, %swap3A_29] : memref<10112x1xf32, #tpu.memory_space<vmem>>, vector<10112x1xf32>
    tpu.vector_store %arg3[%swap3A_28, %swap3A_29], %div3A_13 {strides = array<i32>} : memref<10112x1xf32, #tpu.memory_space<vmem>>, vector<10112x1xf32>,
    %swap3A_31 = arith.constant 0 : index
    %swap3A_32 = arith.constant 0 : index
    %swap3A_33 = vector.load %arg4[%swap3A_31, %swap3A_32] : memref<10112x1xf32, #tpu.memory_space<vmem>>, vector<10112x1xf32>
    tpu.vector_store %arg4[%swap3A_31, %swap3A_32], %select_n3A {strides = array<i32>} : memref<10112x1xf32, #tpu.memory_space<vmem>>, vector<10112x1xf32>,
    return
  }
}

module attributes {stable_mosaic.version = 14 : i64} {
  func.func @_tcc_body(%arg0: memref<2x10112x128xf32, #tpu.memory_space<vmem>>, %arg1: memref<10112x128xf32, #tpu.memory_space<vmem>>, %arg2: memref<10112x1xf32, #tpu.memory_space<vmem>>, %arg3: memref<10112x1xf32, #tpu.memory_space<vmem>>, %arg4: memref<128x128xf32, #tpu.memory_space<vmem>>, %arg5: memref<1x128xf32, #tpu.memory_space<vmem>>, %arg6: memref<1x128xf32, #tpu.memory_space<vmem>>, %arg7: memref<1x128xf32, #tpu.memory_space<vmem>>, %arg8: memref<128x128xf32, #tpu.memory_space<vmem>>, %arg9: memref<10112x128xf32, #tpu.memory_space<vmem>>, %arg10: memref<10112x128xf32, #tpu.memory_space<vmem>>) attributes {dimension_semantics = [], scalar_prefetch = 0 : i64, scratch_operands = 0 : i64, tpu.core_type = #tpu.core_type<tc>} {
    %get3A = arith.constant 0 : index
    %get3A_0 = arith.constant 0 : index
    %get3A_1 = vector.load %arg2[%get3A, %get3A_0] : memref<10112x1xf32, #tpu.memory_space<vmem>>, vector<10112x1xf32>
    %get3A_2 = arith.constant 0 : index
    %get3A_3 = arith.constant 0 : index
    %get3A_4 = arith.constant 0 : index
    %get3A_5 = vector.load %arg0[%get3A_2, %get3A_3, %get3A_4] : memref<2x10112x128xf32, #tpu.memory_space<vmem>>, vector<1x10112x128xf32>
    %get3A_6 = vector.shape_cast %get3A_5 : vector<1x10112x128xf32> to vector<10112x128xf32>
    %get3A_7 = arith.constant 1 : index
    %get3A_8 = arith.constant 0 : index
    %get3A_9 = arith.constant 0 : index
    %get3A_10 = vector.load %arg0[%get3A_7, %get3A_8, %get3A_9] : memref<2x10112x128xf32, #tpu.memory_space<vmem>>, vector<1x10112x128xf32>
    %get3A_11 = vector.shape_cast %get3A_10 : vector<1x10112x128xf32> to vector<10112x128xf32>
    %add3A = arith.addf %get3A_6, %get3A_11 : vector<10112x128xf32>
    %get3A_12 = arith.constant 0 : index
    %get3A_13 = arith.constant 0 : index
    %get3A_14 = vector.load %arg1[%get3A_12, %get3A_13] : memref<10112x128xf32, #tpu.memory_space<vmem>>, vector<10112x128xf32>
    %add3A_15 = arith.addf %add3A, %get3A_14 : vector<10112x128xf32>
    %mul3A = vector.broadcast %get3A_1 : vector<10112x1xf32> to vector<10112x128xf32>
    %mul3A_16 = arith.mulf %mul3A, %add3A_15 : vector<10112x128xf32>
    %get3A_17 = arith.constant 0 : index
    %get3A_18 = arith.constant 0 : index
    %get3A_19 = vector.load %arg4[%get3A_17, %get3A_18] : memref<128x128xf32, #tpu.memory_space<vmem>>, vector<128x128xf32>
    %dot_general3A = arith.constant dense<0.000000e+00> : vector<10112x128xf32>
    %dot_general3A_20 = tpu.matmul %mul3A_16, %get3A_19, %dot_general3A {dimension_numbers = #tpu.dot_dimension_numbers<[1], [0], [0], [1], [0, 0, 1, 1], [], []>, transpose_lhs_hint = false} : vector<10112x128xf32>, vector<128x128xf32>, vector<10112x128xf32> -> vector<10112x128xf32>
    %get3A_21 = arith.constant 0 : index
    %get3A_22 = arith.constant 0 : index
    %get3A_23 = vector.load %arg5[%get3A_21, %get3A_22] : memref<1x128xf32, #tpu.memory_space<vmem>>, vector<1x128xf32>
    %add3A_24 = vector.broadcast %get3A_23 : vector<1x128xf32> to vector<10112x128xf32>
    %add3A_25 = arith.addf %dot_general3A_20, %add3A_24 : vector<10112x128xf32>
    %max3A = arith.constant 0.000000e+00 : f32
    %max3A_26 = vector.broadcast %max3A : f32 to vector<10112x128xf32>
    %max3A_27 = arith.maximumf %add3A_25, %max3A_26 : vector<10112x128xf32>
    %iota3A = tpu.iota {dimensions = array<i32: 0>} : vector<10112x1xi32>
    %lt3A = arith.constant 10000 : i32
    %lt3A_28 = vector.broadcast %lt3A : i32 to vector<10112x1xi32>
    %lt3A_29 = arith.cmpi slt, %iota3A, %lt3A_28 : vector<10112x1xi32>
    %convert_element_type3A = arith.extui %lt3A_29 : vector<10112x1xi1> to vector<10112x1xi32>
    %convert_element_type3A_30 = arith.sitofp %convert_element_type3A : vector<10112x1xi32> to vector<10112x1xf32>
    %mul3A_31 = vector.broadcast %convert_element_type3A_30 : vector<10112x1xf32> to vector<10112x128xf32>
    %mul3A_32 = arith.mulf %max3A_27, %mul3A_31 : vector<10112x128xf32>
    %reduce_sum3A = arith.constant dense<0.000000e+00> : vector<128xf32>
    %reduce_sum3A_33 = vector.multi_reduction <add>, %mul3A_32, %reduce_sum3A [0] : vector<10112x128xf32> to vector<128xf32>
    %broadcast_in_dim3A = vector.shape_cast %reduce_sum3A_33 : vector<128xf32> to vector<1x128xf32>
    %mul3A_34 = arith.constant 9.99999974E-5 : f32
    %mul3A_35 = vector.broadcast %mul3A_34 : f32 to vector<1x128xf32>
    %mul3A_36 = arith.mulf %broadcast_in_dim3A, %mul3A_35 : vector<1x128xf32>
    %sub3A = vector.broadcast %mul3A_36 : vector<1x128xf32> to vector<10112x128xf32>
    %sub3A_37 = arith.subf %mul3A_32, %sub3A : vector<10112x128xf32>
    %iota3A_38 = tpu.iota {dimensions = array<i32: 0>} : vector<10112x1xi32>
    %lt3A_39 = arith.constant 10000 : i32
    %lt3A_40 = vector.broadcast %lt3A_39 : i32 to vector<10112x1xi32>
    %lt3A_41 = arith.cmpi slt, %iota3A_38, %lt3A_40 : vector<10112x1xi32>
    %convert_element_type3A_42 = arith.extui %lt3A_41 : vector<10112x1xi1> to vector<10112x1xi32>
    %convert_element_type3A_43 = arith.sitofp %convert_element_type3A_42 : vector<10112x1xi32> to vector<10112x1xf32>
    %mul3A_44 = vector.broadcast %convert_element_type3A_43 : vector<10112x1xf32> to vector<10112x128xf32>
    %mul3A_45 = arith.mulf %sub3A_37, %mul3A_44 : vector<10112x128xf32>
    %mul3A_46 = arith.mulf %mul3A_45, %mul3A_45 : vector<10112x128xf32>
    %reduce_sum3A_47 = arith.constant dense<0.000000e+00> : vector<128xf32>
    %reduce_sum3A_48 = vector.multi_reduction <add>, %mul3A_46, %reduce_sum3A_47 [0] : vector<10112x128xf32> to vector<128xf32>
    %broadcast_in_dim3A_49 = vector.shape_cast %reduce_sum3A_48 : vector<128xf32> to vector<1x128xf32>
    %mul3A_50 = arith.constant 9.99999974E-5 : f32
    %mul3A_51 = vector.broadcast %mul3A_50 : f32 to vector<1x128xf32>
    %mul3A_52 = arith.mulf %broadcast_in_dim3A_49, %mul3A_51 : vector<1x128xf32>
    %sub3A_53 = vector.broadcast %mul3A_36 : vector<1x128xf32> to vector<10112x128xf32>
    %sub3A_54 = arith.subf %mul3A_32, %sub3A_53 : vector<10112x128xf32>
    %add3A_55 = arith.constant 9.99999974E-6 : f32
    %add3A_56 = vector.broadcast %add3A_55 : f32 to vector<1x128xf32>
    %add3A_57 = arith.addf %mul3A_52, %add3A_56 : vector<1x128xf32>
    %sqrt3A = math.sqrt %add3A_57 : vector<1x128xf32>
    %div3A = arith.constant 1.000000e+00 : f32
    %div3A_58 = vector.broadcast %div3A : f32 to vector<1x128xf32>
    %div3A_59 = arith.divf %div3A_58, %sqrt3A : vector<1x128xf32>
    %mul3A_60 = vector.broadcast %div3A_59 : vector<1x128xf32> to vector<10112x128xf32>
    %mul3A_61 = arith.mulf %sub3A_54, %mul3A_60 : vector<10112x128xf32>
    %get3A_62 = arith.constant 0 : index
    %get3A_63 = arith.constant 0 : index
    %get3A_64 = vector.load %arg6[%get3A_62, %get3A_63] : memref<1x128xf32, #tpu.memory_space<vmem>>, vector<1x128xf32>
    %mul3A_65 = vector.broadcast %get3A_64 : vector<1x128xf32> to vector<10112x128xf32>
    %mul3A_66 = arith.mulf %mul3A_61, %mul3A_65 : vector<10112x128xf32>
    %get3A_67 = arith.constant 0 : index
    %get3A_68 = arith.constant 0 : index
    %get3A_69 = vector.load %arg7[%get3A_67, %get3A_68] : memref<1x128xf32, #tpu.memory_space<vmem>>, vector<1x128xf32>
    %add3A_70 = vector.broadcast %get3A_69 : vector<1x128xf32> to vector<10112x128xf32>
    %add3A_71 = arith.addf %mul3A_66, %add3A_70 : vector<10112x128xf32>
    %iota3A_72 = tpu.iota {dimensions = array<i32: 0>} : vector<10112x1xi32>
    %lt3A_73 = arith.constant 10000 : i32
    %lt3A_74 = vector.broadcast %lt3A_73 : i32 to vector<10112x1xi32>
    %lt3A_75 = arith.cmpi slt, %iota3A_72, %lt3A_74 : vector<10112x1xi32>
    %convert_element_type3A_76 = arith.extui %lt3A_75 : vector<10112x1xi1> to vector<10112x1xi32>
    %convert_element_type3A_77 = arith.sitofp %convert_element_type3A_76 : vector<10112x1xi32> to vector<10112x1xf32>
    %mul3A_78 = vector.broadcast %convert_element_type3A_77 : vector<10112x1xf32> to vector<10112x128xf32>
    %mul3A_79 = arith.mulf %add3A_71, %mul3A_78 : vector<10112x128xf32>
    %swap3A = arith.constant 0 : index
    %swap3A_80 = arith.constant 0 : index
    %swap3A_81 = vector.load %arg10[%swap3A, %swap3A_80] : memref<10112x128xf32, #tpu.memory_space<vmem>>, vector<10112x128xf32>
    tpu.vector_store %arg10[%swap3A, %swap3A_80], %mul3A_79 {strides = array<i32>} : memref<10112x128xf32, #tpu.memory_space<vmem>>, vector<10112x128xf32>,
    %get3A_82 = arith.constant 0 : index
    %get3A_83 = arith.constant 0 : index
    %get3A_84 = vector.load %arg8[%get3A_82, %get3A_83] : memref<128x128xf32, #tpu.memory_space<vmem>>, vector<128x128xf32>
    %dot_general3A_85 = arith.constant dense<0.000000e+00> : vector<10112x128xf32>
    %dot_general3A_86 = tpu.matmul %mul3A_79, %get3A_84, %dot_general3A_85 {dimension_numbers = #tpu.dot_dimension_numbers<[1], [0], [0], [1], [0, 0, 1, 1], [], []>, transpose_lhs_hint = false} : vector<10112x128xf32>, vector<128x128xf32>, vector<10112x128xf32> -> vector<10112x128xf32>
    %get3A_87 = arith.constant 0 : index
    %get3A_88 = arith.constant 0 : index
    %get3A_89 = vector.load %arg3[%get3A_87, %get3A_88] : memref<10112x1xf32, #tpu.memory_space<vmem>>, vector<10112x1xf32>
    %mul3A_90 = vector.broadcast %get3A_89 : vector<10112x1xf32> to vector<10112x128xf32>
    %mul3A_91 = arith.mulf %mul3A_90, %dot_general3A_86 : vector<10112x128xf32>
    %swap3A_92 = arith.constant 0 : index
    %swap3A_93 = arith.constant 0 : index
    %swap3A_94 = vector.load %arg9[%swap3A_92, %swap3A_93] : memref<10112x128xf32, #tpu.memory_space<vmem>>, vector<10112x128xf32>
    tpu.vector_store %arg9[%swap3A_92, %swap3A_93], %mul3A_91 {strides = array<i32>} : memref<10112x128xf32, #tpu.memory_space<vmem>>, vector<10112x128xf32>,
    return
  }
}

module attributes {stable_mosaic.version = 14 : i64} {
  func.func @_tcb_body(%arg0: memref<2x10112x128xf32, #tpu.memory_space<vmem>>, %arg1: memref<10112x128xf32, #tpu.memory_space<vmem>>, %arg2: memref<10112x1xf32, #tpu.memory_space<vmem>>, %arg3: memref<128x128xf32, #tpu.memory_space<vmem>>, %arg4: memref<1x128xf32, #tpu.memory_space<vmem>>, %arg5: memref<10112x128xf32, #tpu.memory_space<vmem>>) attributes {dimension_semantics = [], scalar_prefetch = 0 : i64, scratch_operands = 0 : i64, tpu.core_type = #tpu.core_type<tc>} {
    %get3A = arith.constant 0 : index
    %get3A_0 = arith.constant 0 : index
    %get3A_1 = vector.load %arg2[%get3A, %get3A_0] : memref<10112x1xf32, #tpu.memory_space<vmem>>, vector<10112x1xf32>
    %get3A_2 = arith.constant 0 : index
    %get3A_3 = arith.constant 0 : index
    %get3A_4 = arith.constant 0 : index
    %get3A_5 = vector.load %arg0[%get3A_2, %get3A_3, %get3A_4] : memref<2x10112x128xf32, #tpu.memory_space<vmem>>, vector<1x10112x128xf32>
    %get3A_6 = vector.shape_cast %get3A_5 : vector<1x10112x128xf32> to vector<10112x128xf32>
    %get3A_7 = arith.constant 1 : index
    %get3A_8 = arith.constant 0 : index
    %get3A_9 = arith.constant 0 : index
    %get3A_10 = vector.load %arg0[%get3A_7, %get3A_8, %get3A_9] : memref<2x10112x128xf32, #tpu.memory_space<vmem>>, vector<1x10112x128xf32>
    %get3A_11 = vector.shape_cast %get3A_10 : vector<1x10112x128xf32> to vector<10112x128xf32>
    %add3A = arith.addf %get3A_6, %get3A_11 : vector<10112x128xf32>
    %get3A_12 = arith.constant 0 : index
    %get3A_13 = arith.constant 0 : index
    %get3A_14 = vector.load %arg1[%get3A_12, %get3A_13] : memref<10112x128xf32, #tpu.memory_space<vmem>>, vector<10112x128xf32>
    %add3A_15 = arith.addf %add3A, %get3A_14 : vector<10112x128xf32>
    %mul3A = vector.broadcast %get3A_1 : vector<10112x1xf32> to vector<10112x128xf32>
    %mul3A_16 = arith.mulf %mul3A, %add3A_15 : vector<10112x128xf32>
    %get3A_17 = arith.constant 0 : index
    %get3A_18 = arith.constant 0 : index
    %get3A_19 = vector.load %arg3[%get3A_17, %get3A_18] : memref<128x128xf32, #tpu.memory_space<vmem>>, vector<128x128xf32>
    %dot_general3A = arith.constant dense<0.000000e+00> : vector<10112x128xf32>
    %dot_general3A_20 = tpu.matmul %mul3A_16, %get3A_19, %dot_general3A {dimension_numbers = #tpu.dot_dimension_numbers<[1], [0], [0], [1], [0, 0, 1, 1], [], []>, transpose_lhs_hint = false} : vector<10112x128xf32>, vector<128x128xf32>, vector<10112x128xf32> -> vector<10112x128xf32>
    %get3A_21 = arith.constant 0 : index
    %get3A_22 = arith.constant 0 : index
    %get3A_23 = vector.load %arg4[%get3A_21, %get3A_22] : memref<1x128xf32, #tpu.memory_space<vmem>>, vector<1x128xf32>
    %add3A_24 = vector.broadcast %get3A_23 : vector<1x128xf32> to vector<10112x128xf32>
    %add3A_25 = arith.addf %dot_general3A_20, %add3A_24 : vector<10112x128xf32>
    %max3A = arith.constant 0.000000e+00 : f32
    %max3A_26 = vector.broadcast %max3A : f32 to vector<10112x128xf32>
    %max3A_27 = arith.maximumf %add3A_25, %max3A_26 : vector<10112x128xf32>
    %get3A_28 = arith.constant 0 : index
    %get3A_29 = arith.constant 0 : index
    %get3A_30 = vector.load %arg2[%get3A_28, %get3A_29] : memref<10112x1xf32, #tpu.memory_space<vmem>>, vector<10112x1xf32>
    %mul3A_31 = vector.broadcast %get3A_30 : vector<10112x1xf32> to vector<10112x128xf32>
    %mul3A_32 = arith.mulf %mul3A_31, %max3A_27 : vector<10112x128xf32>
    %iota3A = tpu.iota {dimensions = array<i32: 0>} : vector<10112x1xi32>
    %lt3A = arith.constant 10000 : i32
    %lt3A_33 = vector.broadcast %lt3A : i32 to vector<10112x1xi32>
    %lt3A_34 = arith.cmpi slt, %iota3A, %lt3A_33 : vector<10112x1xi32>
    %convert_element_type3A = arith.extui %lt3A_34 : vector<10112x1xi1> to vector<10112x1xi32>
    %convert_element_type3A_35 = arith.sitofp %convert_element_type3A : vector<10112x1xi32> to vector<10112x1xf32>
    %mul3A_36 = vector.broadcast %convert_element_type3A_35 : vector<10112x1xf32> to vector<10112x128xf32>
    %mul3A_37 = arith.mulf %mul3A_32, %mul3A_36 : vector<10112x128xf32>
    %swap3A = arith.constant 0 : index
    %swap3A_38 = arith.constant 0 : index
    %swap3A_39 = vector.load %arg5[%swap3A, %swap3A_38] : memref<10112x128xf32, #tpu.memory_space<vmem>>, vector<10112x128xf32>
    tpu.vector_store %arg5[%swap3A, %swap3A_38], %mul3A_37 {strides = array<i32>} : memref<10112x128xf32, #tpu.memory_space<vmem>>, vector<10112x128xf32>,
    return
  }
}

module attributes {stable_mosaic.version = 14 : i64} {
  func.func @_tcd_body(%arg0: memref<2x10112x128xf32, #tpu.memory_space<vmem>>, %arg1: memref<10112x128xf32, #tpu.memory_space<vmem>>, %arg2: memref<10112x1xf32, #tpu.memory_space<vmem>>, %arg3: memref<128x128xf32, #tpu.memory_space<vmem>>, %arg4: memref<1x128xf32, #tpu.memory_space<vmem>>, %arg5: memref<10112x1xi32, #tpu.memory_space<vmem>>, %arg6: memref<128x256xf32, #tpu.memory_space<vmem>>, %arg7: memref<1x256xf32, #tpu.memory_space<vmem>>, %arg8: memref<256x384xf32, #tpu.memory_space<vmem>>, %arg9: memref<1x384xf32, #tpu.memory_space<vmem>>, %arg10: memref<384x256xf32, #tpu.memory_space<vmem>>, %arg11: memref<1x256xf32, #tpu.memory_space<vmem>>, %arg12: memref<256x1xf32, #tpu.memory_space<vmem>>, %arg13: memref<1x1xf32, #tpu.memory_space<vmem>>, %arg14: memref<64x1xf32, #tpu.memory_space<vmem>>) attributes {dimension_semantics = [], scalar_prefetch = 0 : i64, scratch_operands = 0 : i64, tpu.core_type = #tpu.core_type<tc>} {
    %get3A = arith.constant 0 : index
    %get3A_0 = arith.constant 0 : index
    %get3A_1 = vector.load %arg2[%get3A, %get3A_0] : memref<10112x1xf32, #tpu.memory_space<vmem>>, vector<10112x1xf32>
    %get3A_2 = arith.constant 0 : index
    %get3A_3 = arith.constant 0 : index
    %get3A_4 = arith.constant 0 : index
    %get3A_5 = vector.load %arg0[%get3A_2, %get3A_3, %get3A_4] : memref<2x10112x128xf32, #tpu.memory_space<vmem>>, vector<1x10112x128xf32>
    %get3A_6 = vector.shape_cast %get3A_5 : vector<1x10112x128xf32> to vector<10112x128xf32>
    %get3A_7 = arith.constant 1 : index
    %get3A_8 = arith.constant 0 : index
    %get3A_9 = arith.constant 0 : index
    %get3A_10 = vector.load %arg0[%get3A_7, %get3A_8, %get3A_9] : memref<2x10112x128xf32, #tpu.memory_space<vmem>>, vector<1x10112x128xf32>
    %get3A_11 = vector.shape_cast %get3A_10 : vector<1x10112x128xf32> to vector<10112x128xf32>
    %add3A = arith.addf %get3A_6, %get3A_11 : vector<10112x128xf32>
    %mul3A = vector.broadcast %get3A_1 : vector<10112x1xf32> to vector<10112x128xf32>
    %mul3A_12 = arith.mulf %mul3A, %add3A : vector<10112x128xf32>
    %get3A_13 = arith.constant 0 : index
    %get3A_14 = arith.constant 0 : index
    %get3A_15 = vector.load %arg1[%get3A_13, %get3A_14] : memref<10112x128xf32, #tpu.memory_space<vmem>>, vector<10112x128xf32>
    %get3A_16 = arith.constant 0 : index
    %get3A_17 = arith.constant 0 : index
    %get3A_18 = vector.load %arg3[%get3A_16, %get3A_17] : memref<128x128xf32, #tpu.memory_space<vmem>>, vector<128x128xf32>
    %dot_general3A = arith.constant dense<0.000000e+00> : vector<10112x128xf32>
    %dot_general3A_19 = tpu.matmul %get3A_15, %get3A_18, %dot_general3A {dimension_numbers = #tpu.dot_dimension_numbers<[1], [0], [0], [1], [0, 0, 1, 1], [], []>, transpose_lhs_hint = false} : vector<10112x128xf32>, vector<128x128xf32>, vector<10112x128xf32> -> vector<10112x128xf32>
    %add3A_20 = arith.addf %mul3A_12, %dot_general3A_19 : vector<10112x128xf32>
    %get3A_21 = arith.constant 0 : index
    %get3A_22 = arith.constant 0 : index
    %get3A_23 = vector.load %arg4[%get3A_21, %get3A_22] : memref<1x128xf32, #tpu.memory_space<vmem>>, vector<1x128xf32>
    %add3A_24 = vector.broadcast %get3A_23 : vector<1x128xf32> to vector<10112x128xf32>
    %add3A_25 = arith.addf %add3A_20, %add3A_24 : vector<10112x128xf32>
    %max3A = arith.constant 0.000000e+00 : f32
    %max3A_26 = vector.broadcast %max3A : f32 to vector<10112x128xf32>
    %max3A_27 = arith.maximumf %add3A_25, %max3A_26 : vector<10112x128xf32>
    %iota3A = tpu.iota {dimensions = array<i32: 0>} : vector<10112x1xi32>
    %lt3A = arith.constant 10000 : i32
    %lt3A_28 = vector.broadcast %lt3A : i32 to vector<10112x1xi32>
    %lt3A_29 = arith.cmpi slt, %iota3A, %lt3A_28 : vector<10112x1xi32>
    %convert_element_type3A = arith.extui %lt3A_29 : vector<10112x1xi1> to vector<10112x1xi32>
    %convert_element_type3A_30 = arith.sitofp %convert_element_type3A : vector<10112x1xi32> to vector<10112x1xf32>
    %mul3A_31 = vector.broadcast %convert_element_type3A_30 : vector<10112x1xf32> to vector<10112x128xf32>
    %mul3A_32 = arith.mulf %max3A_27, %mul3A_31 : vector<10112x128xf32>
    %get3A_33 = arith.constant 0 : index
    %get3A_34 = arith.constant 0 : index
    %get3A_35 = vector.load %arg5[%get3A_33, %get3A_34] : memref<10112x1xi32, #tpu.memory_space<vmem>>, vector<10112x1xi32>
    %iota3A_36 = tpu.iota {dimensions = array<i32: 1>} : vector<10112x64xi32>
    %eq3A = vector.broadcast %get3A_35 : vector<10112x1xi32> to vector<10112x64xi32>
    %eq3A_37 = arith.cmpi eq, %eq3A, %iota3A_36 : vector<10112x64xi32>
    %convert_element_type3A_38 = arith.extui %eq3A_37 : vector<10112x64xi1> to vector<10112x64xi32>
    %convert_element_type3A_39 = arith.sitofp %convert_element_type3A_38 : vector<10112x64xi32> to vector<10112x64xf32>
    %dot_general3A_40 = arith.constant dense<0.000000e+00> : vector<64x128xf32>
    %dot_general3A_41 = tpu.matmul %convert_element_type3A_39, %mul3A_32, %dot_general3A_40 {dimension_numbers = #tpu.dot_dimension_numbers<[0], [0], [1], [1], [0, 1, 1, 1], [], []>, precision = #tpu.contract_precision<fp32>, transpose_lhs_hint = false} : vector<10112x64xf32>, vector<10112x128xf32>, vector<64x128xf32> -> vector<64x128xf32>
    %get3A_42 = arith.constant 0 : index
    %get3A_43 = arith.constant 0 : index
    %get3A_44 = vector.load %arg6[%get3A_42, %get3A_43] : memref<128x256xf32, #tpu.memory_space<vmem>>, vector<128x256xf32>
    %dot_general3A_45 = arith.constant dense<0.000000e+00> : vector<64x256xf32>
    %dot_general3A_46 = tpu.matmul %dot_general3A_41, %get3A_44, %dot_general3A_45 {dimension_numbers = #tpu.dot_dimension_numbers<[1], [0], [0], [1], [0, 0, 1, 1], [], []>, transpose_lhs_hint = false} : vector<64x128xf32>, vector<128x256xf32>, vector<64x256xf32> -> vector<64x256xf32>
    %get3A_47 = arith.constant 0 : index
    %get3A_48 = arith.constant 0 : index
    %get3A_49 = vector.load %arg7[%get3A_47, %get3A_48] : memref<1x256xf32, #tpu.memory_space<vmem>>, vector<1x256xf32>
    %add3A_50 = vector.broadcast %get3A_49 : vector<1x256xf32> to vector<64x256xf32>
    %add3A_51 = arith.addf %dot_general3A_46, %add3A_50 : vector<64x256xf32>
    %max3A_52 = arith.constant 0.000000e+00 : f32
    %max3A_53 = vector.broadcast %max3A_52 : f32 to vector<64x256xf32>
    %max3A_54 = arith.maximumf %add3A_51, %max3A_53 : vector<64x256xf32>
    %get3A_55 = arith.constant 0 : index
    %get3A_56 = arith.constant 0 : index
    %get3A_57 = vector.load %arg8[%get3A_55, %get3A_56] : memref<256x384xf32, #tpu.memory_space<vmem>>, vector<256x384xf32>
    %dot_general3A_58 = arith.constant dense<0.000000e+00> : vector<64x384xf32>
    %dot_general3A_59 = tpu.matmul %max3A_54, %get3A_57, %dot_general3A_58 {dimension_numbers = #tpu.dot_dimension_numbers<[1], [0], [0], [1], [0, 0, 1, 1], [], []>, transpose_lhs_hint = false} : vector<64x256xf32>, vector<256x384xf32>, vector<64x384xf32> -> vector<64x384xf32>
    %get3A_60 = arith.constant 0 : index
    %get3A_61 = arith.constant 0 : index
    %get3A_62 = vector.load %arg9[%get3A_60, %get3A_61] : memref<1x384xf32, #tpu.memory_space<vmem>>, vector<1x384xf32>
    %add3A_63 = vector.broadcast %get3A_62 : vector<1x384xf32> to vector<64x384xf32>
    %add3A_64 = arith.addf %dot_general3A_59, %add3A_63 : vector<64x384xf32>
    %max3A_65 = arith.constant 0.000000e+00 : f32
    %max3A_66 = vector.broadcast %max3A_65 : f32 to vector<64x384xf32>
    %max3A_67 = arith.maximumf %add3A_64, %max3A_66 : vector<64x384xf32>
    %get3A_68 = arith.constant 0 : index
    %get3A_69 = arith.constant 0 : index
    %get3A_70 = vector.load %arg10[%get3A_68, %get3A_69] : memref<384x256xf32, #tpu.memory_space<vmem>>, vector<384x256xf32>
    %dot_general3A_71 = arith.constant dense<0.000000e+00> : vector<64x256xf32>
    %dot_general3A_72 = tpu.matmul %max3A_67, %get3A_70, %dot_general3A_71 {dimension_numbers = #tpu.dot_dimension_numbers<[1], [0], [0], [1], [0, 0, 1, 1], [], []>, transpose_lhs_hint = false} : vector<64x384xf32>, vector<384x256xf32>, vector<64x256xf32> -> vector<64x256xf32>
    %get3A_73 = arith.constant 0 : index
    %get3A_74 = arith.constant 0 : index
    %get3A_75 = vector.load %arg11[%get3A_73, %get3A_74] : memref<1x256xf32, #tpu.memory_space<vmem>>, vector<1x256xf32>
    %add3A_76 = vector.broadcast %get3A_75 : vector<1x256xf32> to vector<64x256xf32>
    %add3A_77 = arith.addf %dot_general3A_72, %add3A_76 : vector<64x256xf32>
    %max3A_78 = arith.constant 0.000000e+00 : f32
    %max3A_79 = vector.broadcast %max3A_78 : f32 to vector<64x256xf32>
    %max3A_80 = arith.maximumf %add3A_77, %max3A_79 : vector<64x256xf32>
    %get3A_81 = arith.constant 0 : index
    %get3A_82 = arith.constant 0 : index
    %get3A_83 = vector.load %arg12[%get3A_81, %get3A_82] : memref<256x1xf32, #tpu.memory_space<vmem>>, vector<256x1xf32>
    %dot_general3A_84 = arith.constant dense<0.000000e+00> : vector<64x1xf32>
    %dot_general3A_85 = tpu.matmul %max3A_80, %get3A_83, %dot_general3A_84 {dimension_numbers = #tpu.dot_dimension_numbers<[1], [0], [0], [1], [0, 0, 1, 1], [], []>, transpose_lhs_hint = false} : vector<64x256xf32>, vector<256x1xf32>, vector<64x1xf32> -> vector<64x1xf32>
    %get3A_86 = arith.constant 0 : index
    %get3A_87 = arith.constant 0 : index
    %get3A_88 = vector.load %arg13[%get3A_86, %get3A_87] : memref<1x1xf32, #tpu.memory_space<vmem>>, vector<1x1xf32>
    %add3A_89 = vector.broadcast %get3A_88 : vector<1x1xf32> to vector<64x1xf32>
    %add3A_90 = arith.addf %dot_general3A_85, %add3A_89 : vector<64x1xf32>
    %swap3A = arith.constant 0 : index
    %swap3A_91 = arith.constant 0 : index
    %swap3A_92 = vector.load %arg14[%swap3A, %swap3A_91] : memref<64x1xf32, #tpu.memory_space<vmem>>, vector<64x1xf32>
    tpu.vector_store %arg14[%swap3A, %swap3A_91], %add3A_90 {strides = array<i32>} : memref<64x1xf32, #tpu.memory_space<vmem>>, vector<64x1xf32>,
    return
  }
}

</mosaic_0001>

<sc_bundles>
// kernel: kernel.10.cloned.1.call-start
scs
__scs_entry_jumppad:
0x0: {  	(pc) =	sbr.rel $0x88, $3  }
0x1: {  	(tag) =	ssettag $0x0;
	lr =	simm.s32 $0x1  }
0x2: {  	[smem:$0x3F8D] =	sst lr;
	_ =	strace $0xD0000000  }
0x3: {  	_ = 	snop  }
0x4: {  	_ = 	snop  }
0x5: {  	_ = 	snop  }
0x6: {  	_ = 	snop  }
0x7: {  	_ = 	snop  }
__scs_overlays_trampoline_lowered:
0x8: {  	[smem:$0x3F9C] =	sst s0  }
0x9: {  	[smem:$0x3F9D] =	sst s1  }
0xa: {  	[smem:$0x3F9E] =	sst s2  }
0xb: {  	[smem:$0x3F9F] =	sst s3  }
0xc: {  	[smem:$0x3FA0] =	sst s4  }
0xd: {  	[smem:$0x3FA1] =	sst s5  }
0xe: {  	[smem:$0x3FA2] =	sst s6  }
0xf: {  	[smem:$0x3FA3] =	sst s7  }
0x10: {  	[smem:$0x3FA4] =	sst s8  }
0x11: {  	[smem:$0x3FA5] =	sst s9;
	s0 =	simm.s32 @!p0 $0x0  }
0x12: {  	s1 =	sld [smem:$0x3F8B];
	s0 =	simm.s32 @p0 $0x1  }
0x13: {  	[smem:$0x3FA6] =	sst s0;
	s0 =	simm.s32 @!p1 $0x0  }
0x14: {  	s2 =	sld [smem:$0x3F8A];
	s0 =	simm.s32 @p1 $0x1  }
0x15: {  	[smem:$0x3FA7] =	sst s0;
	s0 =	simm.s32 @!p2 $0x0  }
0x16: {  	s3 =	sld [smem:$0x3FDB];
	s0 =	simm.s32 @p2 $0x1  }
0x17: {  	s4 =	simm.s32 $0x1BF5;
	[smem:$0x3FA9] =	sst s0  }
0x18: {  	s0 =	sld [smem:$0x3F8C];
	_ =	swait.ge [sflag:s4], $0x0  }
0x19: {  	s7 =	sld [smem:$0x3F8D]  }
0x1a: {  	s8 =	sadd.s32 $0xFFFFE003, lr  }
0x1b: {  	s9 =	sadd.s32 $0xFFFFFEF7, lr;
	s5 =	simm.s32 $0xFFFFFFFF;
	p2 =	slt.u32 s8, $0xFFFFF086  }
0x1c: {  	p1 =	slt.u32 s9, $0xF7A;
	s5 =	simm.s32 @!p2 $0x0  }
0x1d: {  	s5 =	simm.s32 @p1 $0x1;
	p0 =	seq.s32 s7, s2  }
0x1e: {  	s7 =	smul.u32 @!p0 $0xF7A, s2;
	p2 =	seq.s32 @!p0 s5, $0x0  }
0x1f: {  	s9 =	smul.u32 $0xF7A, s1;
	s8 =	simm.s32 @!p0 $0x1BF5;
	p2 =	por !p2, p0  }
0x20: {  	[sflag:s8] =	ssyncset.s32 @!p0 $0xFFFFF086;
	s6 =	sadd.s32 @!p0 s3, s7;
	s7 =	simm.s32 @!p0 $0x108  }
0x21: {  	s3 =	sadd.s32 s3, s9;
	s6 =	sadd.s32 @!p0 $0x88, s6;
	s7 =	simm.s32 @p2 $0x1082  }
0x22: {  	[simem:s7], [sflag:s8] =	dma.local @!p0 [hbm:s6], $0xF7A  }
0x23: {  	s9 =	sor.u32 $0xD0000000, s2;
	s6 =	simm.s32 $0x108;
	_ =	swait.ge @!p0 [sflag:s8], $0x0  }
0x24: {  	s3 =	sadd.s32 $0x88, s3;
	s6 =	simm.s32 @!p1 $0x1082;
	[sflag:s4] =	ssyncset.s32 $0xFFFFF086  }
0x25: {  	[simem:s6], [sflag:s4] =	dma.local [hbm:s3], $0xF7A  }
0x26: {  	[smem:$0x3F8D] =	sst s1;
	(tag) =	ssettag s2;
	_ =	strace s9  }
0x27: {  	s1 =	sld [smem:$0x3F9D]  }
0x28: {  	s2 =	sld [smem:$0x3F9E]  }
0x29: {  	s4 =	sld [smem:$0x3FA0]  }
0x2a: {  	p0 =	seq.s32 s5, $0x0;
	s5 =	sld [smem:$0x3FA1]  }
0x2b: {  	s6 =	sld [smem:$0x3FA2]  }
0x2c: {  	s7 =	sld [smem:$0x3FA3]  }
0x2d: {  	s3 =	simm.s32 $0x108;
	s8 =	sld [smem:$0x3FA4]  }
0x2e: {  	s3 =	simm.s32 @!p0 $0x1082;
	s9 =	sld [smem:$0x3FA5]  }
0x2f: {  	lr =	sadd.s32 s0, s3;
	s0 =	sld [smem:$0x3F9C]  }
0x30: {  	s3 =	sld [smem:$0x3F9F]  }
0x31: {  	[smem:$0x3FA8] =	sst s10  }
0x32: {  	s10 =	sld [smem:$0x3FA6];
	_ =	sdelay $0x3  }
0x33: {  	p0 =	seq.s32 s10, $0x1;
	s10 =	sld [smem:$0x3FA8];
	_ =	sdelay $0x3  }
0x34: {  	[smem:$0x3FA8] =	sst s10  }
0x35: {  	s10 =	sld [smem:$0x3FA7];
	_ =	sdelay $0x3  }
0x36: {  	p1 =	seq.s32 s10, $0x1;
	s10 =	sld [smem:$0x3FA8];
	_ =	sdelay $0x3  }
0x37: {  	[smem:$0x3FA8] =	sst s10  }
0x38: {  	s10 =	sld [smem:$0x3FA9]  }
0x39: {  	_ = 	snop;
	(pc) =	sbr.ind lr, $3  }
0x3a: {  	_ = 	snop  }
0x3b: {  	_ = 	snop  }
0x3c: {  	p2 =	seq.s32 s10, $0x1;
	s10 =	sld [smem:$0x3FA8]  }
0x3d: {  	_ =	shalt  }
0x3e: {  	_ =	shalt  }
0x3f: {  	_ =	shalt  }
0x40: {  	_ =	shalt  }
0x41: {  	_ =	shalt  }
0x42: {  	_ =	shalt  }
0x43: {  	_ =	shalt  }
0x44: {  	_ =	shalt  }
0x45: {  	_ =	shalt  }
0x46: {  	_ =	shalt  }
0x47: {  	_ =	shalt  }
0x48: {  	_ =	shalt  }
0x49: {  	_ =	shalt  }
0x4a: {  	_ =	shalt  }
0x4b: {  	_ =	shalt  }
0x4c: {  	_ =	shalt  }
0x4d: {  	_ =	shalt  }
0x4e: {  	_ =	shalt  }
0x4f: {  	_ =	shalt  }
0x50: {  	_ =	shalt  }
0x51: {  	_ =	shalt  }
0x52: {  	_ =	shalt  }
0x53: {  	_ =	shalt  }
0x54: {  	_ =	shalt  }
0x55: {  	_ =	shalt  }
0x56: {  	_ =	shalt  }
0x57: {  	_ =	shalt  }
0x58: {  	_ =	shalt  }
0x59: {  	_ =	shalt  }
0x5a: {  	_ =	shalt  }
0x5b: {  	_ =	shalt  }
0x5c: {  	_ =	shalt  }
0x5d: {  	_ =	shalt  }
0x5e: {  	_ =	shalt  }
0x5f: {  	_ =	shalt  }
0x60: {  	_ =	shalt  }
0x61: {  	_ =	shalt  }
0x62: {  	_ =	shalt  }
0x63: {  	_ =	shalt  }
0x64: {  	_ =	shalt  }
0x65: {  	_ =	shalt  }
0x66: {  	_ =	shalt  }
0x67: {  	_ =	shalt  }
0x68: {  	_ =	shalt  }
0x69: {  	_ =	shalt  }
0x6a: {  	_ =	shalt  }
0x6b: {  	_ =	shalt  }
0x6c: {  	_ =	shalt  }
0x6d: {  	_ =	shalt  }
0x6e: {  	_ =	shalt  }
0x6f: {  	_ =	shalt  }
0x70: {  	_ =	shalt  }
0x71: {  	_ =	shalt  }
0x72: {  	_ =	shalt  }
0x73: {  	_ =	shalt  }
0x74: {  	_ =	shalt  }
0x75: {  	_ =	shalt  }
0x76: {  	_ =	shalt  }
0x77: {  	_ =	shalt  }
0x78: {  	_ =	shalt  }
0x79: {  	_ =	shalt  }
0x7a: {  	_ =	shalt  }
0x7b: {  	_ =	shalt  }
0x7c: {  	_ =	shalt  }
0x7d: {  	_ =	shalt  }
0x7e: {  	_ =	shalt  }
0x7f: {  	_ =	shalt  }
0x80: {  	_ =	shalt  }
0x81: {  	_ =	shalt  }
0x82: {  	_ =	shalt  }
0x83: {  	_ =	shalt  }
0x84: {  	_ =	shalt  }
0x85: {  	_ =	shalt  }
0x86: {  	_ =	shalt  }
0x87: {  	_ =	shalt  }
.Lfunc_end0:
.L_simem_size_0:
called_computation_lowered:
.L_overlay_start_0:
0x88: {  	s2 =	sld [smem:$0x3FD9]  }
0x89: {  	s3 =	sld [smem:$0x3FFE];
	_ =	sdelay $0x1  }
0x8a: {  	s1 =	srdreg.scid  }
0x8b: {  	s0 =	sand.u32 $0x1, s1  }
0x8c: {  	s16 =	sshll.u32 s0, $0xA;
	s2 =	sadd.s32 s3, s2  }
0x8d: {  	s2 =	sadd.s32 s2, s16  }
0x8e: {  	[smem:$0x3FB4] =	sst s2  }
0x8f: {  	_ = 	snop  }
0x90: {  	(tm) =	ssettm $0x1  }
0x91: {  	s17 =	sld [smem:$0x3FFB];
	_ =	sdelay $0x3  }
0x92: {  	_ =	strace s17  }
0x93: {  	s2 =	sld [smem:$0x3FFC];
	_ =	sdelay $0x3  }
0x94: {  	_ =	strace s2  }
0x95: {  	s2 =	sld [smem:$0x3FFD];
	_ =	sdelay $0x3  }
0x96: {  	_ =	strace s2  }
0x97: {  	_ =	strace $0x8FFFFFFF  }
0x98: {  	s18 =	sld [smem:$0x3FDB];
	_ =	sdelay $0x1  }
0x99: {  	s19 =	simm.s32 $_scs_section_size  }
0x9a: {  	s4 =	simm.s32 $_size__tile_overlayer_lowered;
	s5 =	simm.s32 $_tile_overlayer_lowered  }
0x9b: {  	s22 =	simm.s32 $0x1BFF;
	s21 =	sshll.u32 s5, $0x1;
	s2 =	sadd.s32 s19, s18  }
0x9c: {  	s6 =	simm.s32 $0x0;
	s20 =	sshll.u32 s4, $0x1;
	s4 =	sadd.s32 s21, s2  }
0x9d: {  	[timem:s6], [sflag:s22] =	dma.local [hbm:s4], s20  }
0x9e: {  	_ =	swait.ge [sflag:s22], s20  }
0x9f: {  	s3 =	ssub.s32 $0x0, s20;
	[sflag:s22] =	ssyncset.done $0x0  }
0xa0: {  	[sflag:s22] =	ssyncadd.s32 s3;
	_ =	sdelay $0x1  }
0xa1: {  	s23 =	simm.s32 $0x1B8B  }
0xa2: {  	_ =	swait.ge [sflag:s23], $0x1  }
0xa3: {  	[sflag:s23] =	ssyncset.done $0x0  }
0xa4: {  	s25 =	simm.s32 $0x1B8E;
	s24 =	sld [smem:$0x3FFE];
	[sflag:s23] =	ssyncadd.s32 $0xFFFFFFFF  }
0xa5: {  	s26 =	simm.s32 $execute0_lowered;
	[smem:$0x3FD2] =	sst s25  }
0xa6: {  	s4 =	sshll.u32 s26, $0x1;
	_ =	strace $0x80000046;
	[dreg:$0x1] =	wrdreg $0xFFFFFFFF  }
0xa7: {  	s28 =	simm.s32 $_size_execute0_lowered;
	s2 =	sadd.s32 s2, s4;
	[dreg:$0x0] =	wrdreg $0x0  }
0xa8: {  	s4 =	sshll.u32 s28, $0x1;
	[dreg:$0x2] =	wrdreg s2  }
0xa9: {  	[dreg:$0x3] =	wrdreg s4  }
0xaa: {  	[dreg:$0x4] =	wrdreg $0xC0  }
0xab: {  	_ =	task [dreg:s6], $0x5FFFF  }
0xac: {  	[dreg:$0x1] =	wrdreg $0xFFFFFFFF  }
0xad: {  	[dreg:$0x0] =	wrdreg $0x60  }
0xae: {  	[dreg:$0x2] =	wrdreg s24  }
0xaf: {  	[dreg:$0x3] =	wrdreg $0x0  }
0xb0: {  	[dreg:$0x4] =	wrdreg $0x9  }
0xb1: {  	_ =	task.clear_ibuf [dreg:s6], $0x5FFFF;
	_ =	strace $0x90000046  }
0xb2: {  	s29 =	simm.s32 $0x9;
	_ =	strace $0x80000048  }
0xb3: {  	_ =	swait.ge [sflag:s29], $0x1  }
0xb4: {  	[sflag:s29] =	ssyncadd.s32 $0xFFFFFFFF  }
0xb5: {  	_ =	strace $0x90000048  }
0xb6: {  	_ =	sfence  }
0xb7: {  	s30 =	sld [smem:$0x0];
	_ =	sdelay $0x2  }
0xb8: {  	s31 =	sshll.u32 s1, $0xD;
	s1 =	sshrl.u32 s1, $0x2  }
0xb9: {  	s3 =	sand.u32 $0x4000, s31;
	s1 =	sadd.s32 s1, s30  }
0xba: {  	s0 =	sor.u32 s3, s0;
	s1 =	sshll.u32 s1, $0x11  }
0xbb: {  	s0 =	sor.u32 s1, s0  }
0xbc: {  	s0 =	sadd.s32 $0x8F2B, s0  }
0xbd: {  	[sflag:s0] =	ssyncadd.remote.s32 $0x1  }
0xbe: {  	_ =	sfence.sel $0xFFFF  }
0xbf: {  	[dreg:$0x0] =	wrdreg $0xFFFFFFFF;
	(pc) =	sbr.abs _section_cstart, $3  }
0xc0: {  	[dreg:$0x1] =	wrdreg $0xFFFFFFFF  }
0xc1: {  	_ =	task.clear_ibuf [dreg:s6], $0x2FFFF;
	_ =	strace $0x9FFFFFFF  }
0xc2: {  	(tm) =	ssettm $0x7FFFFFFF  }
0xc3: {  	_ =	shalt  }
tec
execute0_lowered:
.L_overlay_start_1:
0x0: {  	(tag) =	ssettag $0x1  }
0x1: {  	s5 =	rddreg [dreg:$0x0];
	s0 =	srdreg.scid  }
0x2: {  	s2 =	rddreg [dreg:$0x1];
	s1 =	stileid.u32;
	s3 =	simm.s32 $0x0  }
0x3: {  	s13 =	simm.s32 $0x13C80;
	s14 =	simm.s32 $0x80;
	s8 =	smul.u32 $0x13C00, s1  }
0x4: {  	s15 =	simm.s32 $0x13D00;
	s16 =	simm.s32 $0x1;
	s11 =	smul.u32 $0x4F000, s1  }
0x5: {  	s6 =	sand.u32 $0x1, s0;
	s0 =	rddreg [dreg:$0x2];
	s30 =	smul.u32 $0x4F0, s1  }
0x6: {  	s17 =	simm.s32 $0x0;
	[smem:$0x7FF] =	sst s3;
	s7 =	smul.u32 $0x4F00, s6  }
0x7: {  	s4 =	sadd.s32 $0x36000, s5;
	s29 =	sshll.u32 s1, $0x6;
	s9 =	smul.u32 $0x13C000, s6  }
0x8: {  	_ =	strace $0x80000047;
	s6 =	ssub.s32 $0x2, s6;
	s25 =	sshrl.u32 s8, $0x3  }
0x9: {  	s26 =	sshrl.u32 s6, $0x1;
	s28 =	sshrl.u32 s11, $0x2;
	s11 =	simm.s32 $0x2  }
0xa: {  	s10 =	sadd.s32 s7, s5;
	s8 =	sadd.s32 s8, s9;
	s7 =	sadd.s32 s25, s5  }
0xb: {  	s9 =	ssub.s32 s6, s26;
	s12 =	sadd.s32 s28, s2;
	s6 =	sor.u32 $0x1C02, s29  }
0xc: {  	s8 =	sshrl.u32 s8, $0x3;
	s31 =	sadd.s32 s30, s10;
	s10 =	sshrl.u32 s12, $0x3  }
0xd: {  	s12 =	simm.s32 $0x13C00;
	s8 =	sadd.s32 s8, s5;
	s5 =	sadd.s32 $0xE800, s7  }
0xe: {  	s7 =	sadd.s32 $0x5D800, s8;
	s8 =	smax.u32 s9, $0x1;
	s9 =	sadd.s32 $0x4A00, s31  }
.LBB2_1:
0xf: {  	[spmem:s10], [sflag:s6] =	dma.local [hbm:s5], $0x2780  }
0x10: {  	_ =	swait.ge [sflag:s11], $0x2780  }
0x11: {  	[sflag:s11] =	ssyncset.done $0x0  }
0x12: {  	[sflag:s11] =	ssyncadd.s32 $0xFFFFD880  }
0x13: {  	s18 =	sadd.s32 $0x0, s9;
	[bflag:$0x0] =	sbarrier.arrive $0xFFFF  }
0x14: {  	[tilespmem:s12], [sflag:$0x2] =	stream.linear.gather [hbm4b:s18+s3], $0x80, $0x38;
	[tilespmem:$0x17D00] =	vst v63  }
0x15: {  	_ =	swait.ge [sflag:s11], $0x80  }
0x16: {  	[sflag:s11] =	ssyncset.done $0x0  }
0x17: {  	[sflag:s11] =	ssyncadd.s32 $0xFFFFFF80  }
0x18: {  	[tilespmem:s13], [sflag:$0x2] =	stream.linear.gather [hbm4b:s18+s3], $0x80, $0x38;
	[tilespmem:$0x17D00] =	vst v63  }
0x19: {  	_ =	swait.ge [sflag:s11], $0x80  }
0x1a: {  	[sflag:s11] =	ssyncset.done $0x0  }
0x1b: {  	[sflag:s11] =	ssyncadd.s32 $0xFFFFFF80  }
0x1c: {  	[tilespmem:s15], [sflag:$0x1] =	stream.indirect.gather [hbm4b:s4+s14], $0x80, s12, s14, $0xb8;
	[tilespmem:$0x17D00] =	vst v63  }
0x1d: {  	_ =	swait.ge [sflag:s16], $0x4000  }
0x1e: {  	[sflag:s16] =	ssyncset.done $0x0  }
0x1f: {  	[sflag:s16] =	ssyncadd.s32 $0xFFFFC000  }
0x20: {  	[spmem:s2] =	stream.indirect.scatter.add.f32 [tilespmem:s15], [sflag:$0x2], $0x80, s13, s14, $0xb8;
	[tilespmem:$0x17D00] =	vst v63  }
0x21: {  	_ =	swait.ge [sflag:s11], $0x4000  }
0x22: {  	s19 =	simm.s32 $0x20;
	s18 =	simm.s32 $0x10;
	[sflag:s11] =	ssyncset.done $0x0  }
.LBB2_2:
0x23: {  	s20 =	sadd.s32 s18, s9  }
0x24: {  	[sflag:s11] =	ssyncadd.s32 $0xFFFFC000;
	s18 =	smov.u32 s19;
	s21 =	sadd.s32 $0x10, s19  }
0x25: {  	[tilespmem:s12], [sflag:$0x2] =	stream.linear.gather [hbm4b:s20+s3], $0x80, $0x38;
	[tilespmem:$0x17D00] =	vst v63  }
0x26: {  	p0 =	sne.s32 s19, $0x4E0;
	_ =	swait.ge [sflag:s11], $0x80  }
0x27: {  	[sflag:s11] =	ssyncset.done $0x0  }
0x28: {  	[sflag:s11] =	ssyncadd.s32 $0xFFFFFF80  }
0x29: {  	[tilespmem:s13], [sflag:$0x2] =	stream.linear.gather [hbm4b:s20+s3], $0x80, $0x38;
	[tilespmem:$0x17D00] =	vst v63  }
0x2a: {  	_ =	swait.ge [sflag:s11], $0x80  }
0x2b: {  	[sflag:s11] =	ssyncset.done $0x0  }
0x2c: {  	[sflag:s11] =	ssyncadd.s32 $0xFFFFFF80  }
0x2d: {  	[tilespmem:s15], [sflag:$0x1] =	stream.indirect.gather [hbm4b:s4+s14], $0x80, s12, s14, $0xb8;
	[tilespmem:$0x17D00] =	vst v63  }
0x2e: {  	_ =	swait.ge [sflag:s16], $0x4000  }
.Ltmp0:
0x2f: {  	[sflag:s16] =	ssyncset.done $0x0;
	(pc) =	sbr.rel @p0 .LBB2_2-.Ltmp0, $4  }
0x30: {  	[sflag:s16] =	ssyncadd.s32 $0xFFFFC000  }
0x31: {  	[spmem:s2] =	stream.indirect.scatter.add.f32 [tilespmem:s15], [sflag:$0x2], $0x80, s13, s14, $0xb8;
	[tilespmem:$0x17D00] =	vst v63  }
0x32: {  	_ =	swait.ge [sflag:s11], $0x4000  }
0x33: {  	s19 =	smov.u32 s21;
	[sflag:s11] =	ssyncset.done $0x0  }
0x34: {  	s18 =	sadd.s32 s18, s9;
	[sflag:s11] =	ssyncadd.s32 $0xFFFFC000  }
0x35: {  	[tilespmem:s12], [sflag:$0x2] =	stream.linear.gather [hbm4b:s18+s3], $0x80, $0x38;
	[tilespmem:$0x17D00] =	vst v63  }
0x36: {  	_ =	swait.ge [sflag:s11], $0x80  }
0x37: {  	[sflag:s11] =	ssyncset.done $0x0  }
0x38: {  	[sflag:s11] =	ssyncadd.s32 $0xFFFFFF80  }
0x39: {  	[tilespmem:s13], [sflag:$0x2] =	stream.linear.gather [hbm4b:s18+s3], $0x80, $0x38;
	[tilespmem:$0x17D00] =	vst v63  }
0x3a: {  	_ =	swait.ge [sflag:s11], $0x80  }
0x3b: {  	[sflag:s11] =	ssyncset.done $0x0  }
0x3c: {  	[sflag:s11] =	ssyncadd.s32 $0xFFFFFF80  }
0x3d: {  	[tilespmem:s15], [sflag:$0x1] =	stream.indirect.gather [hbm4b:s4+s14], $0x80, s12, s14, $0xb8;
	[tilespmem:$0x17D00] =	vst v63  }
0x3e: {  	_ =	swait.ge [sflag:s16], $0x4000  }
0x3f: {  	[sflag:s16] =	ssyncset.done $0x0  }
0x40: {  	[sflag:s16] =	ssyncadd.s32 $0xFFFFC000  }
0x41: {  	[spmem:s2] =	stream.indirect.scatter.add.f32 [tilespmem:s15], [sflag:$0x2], $0x80, s13, s14, $0xb8;
	[tilespmem:$0x17D00] =	vst v63  }
0x42: {  	_ =	swait.ge [sflag:s11], $0x4000  }
0x43: {  	s17 =	sadd.s32 $0x1, s17;
	[sflag:s11] =	ssyncset.done $0x0  }
0x44: {  	p0 =	sne.s32 s17, s8;
	[sflag:s11] =	ssyncadd.s32 $0xFFFFC000  }
.Ltmp1:
0x45: {  	[bflag:$0x0] =	sbarrier.arrive $0xFFFF;
	(pc) =	sbr.rel @p0 .LBB2_1-.Ltmp1, $4  }
0x46: {  	[hbm:s7], [sflag:s6] =	dma.local [spmem:s10], $0x2780  }
0x47: {  	_ =	swait.ge [sflag:s11], $0x2780  }
0x48: {  	[sflag:s11] =	ssyncset.done $0x0  }
0x49: {  	[sflag:s11] =	ssyncadd.s32 $0xFFFFD880  }
0x4a: {  	_ =	sfence.sel $0x180000  }
0x4b: {  	[bflag:$0x0] =	sbarrier.arrive $0xFFFF  }
0x4c: {  	p0 =	sne.s32 s1, $0x0;
	_ =	strace $0x90000047  }
0x4d: {  	s0 =	sadd.s32 @!p0 $0x100000, s0;
	[bflag:$0x2] =	sbarrier.arrive $0xFFFF  }
0x4e: {  	[sflag:s0] =	ssyncadd.tile.s32 @!p0 $0x1;
	_ =	shalt  }
.Lfunc_end2:
_tile_overlayer_lowered:
.L_overlay_start_2:
0x4f: {  	(tag) =	ssettag $0x2  }
0x50: {  	s0 =	rddreg [dreg:$0x0];
	s2 =	stileid.u32  }
0x51: {  	s1 =	rddreg [dreg:$0x1];
	p0 =	sne.s32 s2, $0x0  }
0x52: {  	s3 =	rddreg [dreg:$0x2];
	[bflag:$0x3] =	sbarrier.arrive $0xFFFF;
	s2 =	simm.s32 @!p0 $0x1C02  }
0x53: {  	[timem:s3], [sflag:s2] =	dma.local @!p0 [hbm:s0], s1  }
0x54: {  	s0 =	simm.s32 @!p0 $0x2  }
0x55: {  	_ =	swait.ge @!p0 [sflag:s0], s1  }
0x56: {  	s1 =	ssub.s32 @!p0 $0x0, s1;
	[sflag:s0] =	ssyncset.done @!p0 $0x0  }
0x57: {  	[sflag:s0] =	ssyncadd.s32 @!p0 s1  }
0x58: {  	[bflag:$0x3] =	sbarrier.arrive $0xFFFF  }
0x59: {  	_ =	shalt  }

// kernel: kernel.13.cloned.1.call-start
scs
__scs_entry_jumppad:
0x0: {  	(pc) =	sbr.rel $0x88, $3  }
0x1: {  	(tag) =	ssettag $0x0;
	lr =	simm.s32 $0x1  }
0x2: {  	[smem:$0x3F8D] =	sst lr;
	_ =	strace $0xD0000000  }
0x3: {  	_ = 	snop  }
0x4: {  	_ = 	snop  }
0x5: {  	_ = 	snop  }
0x6: {  	_ = 	snop  }
0x7: {  	_ = 	snop  }
__scs_overlays_trampoline_lowered:
0x8: {  	[smem:$0x3F9C] =	sst s0  }
0x9: {  	[smem:$0x3F9D] =	sst s1  }
0xa: {  	[smem:$0x3F9E] =	sst s2  }
0xb: {  	[smem:$0x3F9F] =	sst s3  }
0xc: {  	[smem:$0x3FA0] =	sst s4  }
0xd: {  	[smem:$0x3FA1] =	sst s5  }
0xe: {  	[smem:$0x3FA2] =	sst s6  }
0xf: {  	[smem:$0x3FA3] =	sst s7  }
0x10: {  	[smem:$0x3FA4] =	sst s8  }
0x11: {  	[smem:$0x3FA5] =	sst s9;
	s0 =	simm.s32 @!p0 $0x0  }
0x12: {  	s1 =	sld [smem:$0x3F8B];
	s0 =	simm.s32 @p0 $0x1  }
0x13: {  	[smem:$0x3FA6] =	sst s0;
	s0 =	simm.s32 @!p1 $0x0  }
0x14: {  	s2 =	sld [smem:$0x3F8A];
	s0 =	simm.s32 @p1 $0x1  }
0x15: {  	[smem:$0x3FA7] =	sst s0;
	s0 =	simm.s32 @!p2 $0x0  }
0x16: {  	s3 =	sld [smem:$0x3FDB];
	s0 =	simm.s32 @p2 $0x1  }
0x17: {  	s4 =	simm.s32 $0x1BF5;
	[smem:$0x3FA9] =	sst s0  }
0x18: {  	s0 =	sld [smem:$0x3F8C];
	_ =	swait.ge [sflag:s4], $0x0  }
0x19: {  	s7 =	sld [smem:$0x3F8D]  }
0x1a: {  	s8 =	sadd.s32 $0xFFFFE003, lr  }
0x1b: {  	s9 =	sadd.s32 $0xFFFFFEF7, lr;
	s5 =	simm.s32 $0xFFFFFFFF;
	p2 =	slt.u32 s8, $0xFFFFF086  }
0x1c: {  	p1 =	slt.u32 s9, $0xF7A;
	s5 =	simm.s32 @!p2 $0x0  }
0x1d: {  	s5 =	simm.s32 @p1 $0x1;
	p0 =	seq.s32 s7, s2  }
0x1e: {  	s7 =	smul.u32 @!p0 $0xF7A, s2;
	p2 =	seq.s32 @!p0 s5, $0x0  }
0x1f: {  	s9 =	smul.u32 $0xF7A, s1;
	s8 =	simm.s32 @!p0 $0x1BF5;
	p2 =	por !p2, p0  }
0x20: {  	[sflag:s8] =	ssyncset.s32 @!p0 $0xFFFFF086;
	s6 =	sadd.s32 @!p0 s3, s7;
	s7 =	simm.s32 @!p0 $0x108  }
0x21: {  	s3 =	sadd.s32 s3, s9;
	s6 =	sadd.s32 @!p0 $0x88, s6;
	s7 =	simm.s32 @p2 $0x1082  }
0x22: {  	[simem:s7], [sflag:s8] =	dma.local @!p0 [hbm:s6], $0xF7A  }
0x23: {  	s9 =	sor.u32 $0xD0000000, s2;
	s6 =	simm.s32 $0x108;
	_ =	swait.ge @!p0 [sflag:s8], $0x0  }
0x24: {  	s3 =	sadd.s32 $0x88, s3;
	s6 =	simm.s32 @!p1 $0x1082;
	[sflag:s4] =	ssyncset.s32 $0xFFFFF086  }
0x25: {  	[simem:s6], [sflag:s4] =	dma.local [hbm:s3], $0xF7A  }
0x26: {  	[smem:$0x3F8D] =	sst s1;
	(tag) =	ssettag s2;
	_ =	strace s9  }
0x27: {  	s1 =	sld [smem:$0x3F9D]  }
0x28: {  	s2 =	sld [smem:$0x3F9E]  }
0x29: {  	s4 =	sld [smem:$0x3FA0]  }
0x2a: {  	p0 =	seq.s32 s5, $0x0;
	s5 =	sld [smem:$0x3FA1]  }
0x2b: {  	s6 =	sld [smem:$0x3FA2]  }
0x2c: {  	s7 =	sld [smem:$0x3FA3]  }
0x2d: {  	s3 =	simm.s32 $0x108;
	s8 =	sld [smem:$0x3FA4]  }
0x2e: {  	s3 =	simm.s32 @!p0 $0x1082;
	s9 =	sld [smem:$0x3FA5]  }
0x2f: {  	lr =	sadd.s32 s0, s3;
	s0 =	sld [smem:$0x3F9C]  }
0x30: {  	s3 =	sld [smem:$0x3F9F]  }
0x31: {  	[smem:$0x3FA8] =	sst s10  }
0x32: {  	s10 =	sld [smem:$0x3FA6];
	_ =	sdelay $0x3  }
0x33: {  	p0 =	seq.s32 s10, $0x1;
	s10 =	sld [smem:$0x3FA8];
	_ =	sdelay $0x3  }
0x34: {  	[smem:$0x3FA8] =	sst s10  }
0x35: {  	s10 =	sld [smem:$0x3FA7];
	_ =	sdelay $0x3  }
0x36: {  	p1 =	seq.s32 s10, $0x1;
	s10 =	sld [smem:$0x3FA8];
	_ =	sdelay $0x3  }
0x37: {  	[smem:$0x3FA8] =	sst s10  }
0x38: {  	s10 =	sld [smem:$0x3FA9]  }
0x39: {  	_ = 	snop;
	(pc) =	sbr.ind lr, $3  }
0x3a: {  	_ = 	snop  }
0x3b: {  	_ = 	snop  }
0x3c: {  	p2 =	seq.s32 s10, $0x1;
	s10 =	sld [smem:$0x3FA8]  }
0x3d: {  	_ =	shalt  }
0x3e: {  	_ =	shalt  }
0x3f: {  	_ =	shalt  }
0x40: {  	_ =	shalt  }
0x41: {  	_ =	shalt  }
0x42: {  	_ =	shalt  }
0x43: {  	_ =	shalt  }
0x44: {  	_ =	shalt  }
0x45: {  	_ =	shalt  }
0x46: {  	_ =	shalt  }
0x47: {  	_ =	shalt  }
0x48: {  	_ =	shalt  }
0x49: {  	_ =	shalt  }
0x4a: {  	_ =	shalt  }
0x4b: {  	_ =	shalt  }
0x4c: {  	_ =	shalt  }
0x4d: {  	_ =	shalt  }
0x4e: {  	_ =	shalt  }
0x4f: {  	_ =	shalt  }
0x50: {  	_ =	shalt  }
0x51: {  	_ =	shalt  }
0x52: {  	_ =	shalt  }
0x53: {  	_ =	shalt  }
0x54: {  	_ =	shalt  }
0x55: {  	_ =	shalt  }
0x56: {  	_ =	shalt  }
0x57: {  	_ =	shalt  }
0x58: {  	_ =	shalt  }
0x59: {  	_ =	shalt  }
0x5a: {  	_ =	shalt  }
0x5b: {  	_ =	shalt  }
0x5c: {  	_ =	shalt  }
0x5d: {  	_ =	shalt  }
0x5e: {  	_ =	shalt  }
0x5f: {  	_ =	shalt  }
0x60: {  	_ =	shalt  }
0x61: {  	_ =	shalt  }
0x62: {  	_ =	shalt  }
0x63: {  	_ =	shalt  }
0x64: {  	_ =	shalt  }
0x65: {  	_ =	shalt  }
0x66: {  	_ =	shalt  }
0x67: {  	_ =	shalt  }
0x68: {  	_ =	shalt  }
0x69: {  	_ =	shalt  }
0x6a: {  	_ =	shalt  }
0x6b: {  	_ =	shalt  }
0x6c: {  	_ =	shalt  }
0x6d: {  	_ =	shalt  }
0x6e: {  	_ =	shalt  }
0x6f: {  	_ =	shalt  }
0x70: {  	_ =	shalt  }
0x71: {  	_ =	shalt  }
0x72: {  	_ =	shalt  }
0x73: {  	_ =	shalt  }
0x74: {  	_ =	shalt  }
0x75: {  	_ =	shalt  }
0x76: {  	_ =	shalt  }
0x77: {  	_ =	shalt  }
0x78: {  	_ =	shalt  }
0x79: {  	_ =	shalt  }
0x7a: {  	_ =	shalt  }
0x7b: {  	_ =	shalt  }
0x7c: {  	_ =	shalt  }
0x7d: {  	_ =	shalt  }
0x7e: {  	_ =	shalt  }
0x7f: {  	_ =	shalt  }
0x80: {  	_ =	shalt  }
0x81: {  	_ =	shalt  }
0x82: {  	_ =	shalt  }
0x83: {  	_ =	shalt  }
0x84: {  	_ =	shalt  }
0x85: {  	_ =	shalt  }
0x86: {  	_ =	shalt  }
0x87: {  	_ =	shalt  }
.Lfunc_end0:
.L_simem_size_0:
called_computation.1_lowered:
.L_overlay_start_0:
0x88: {  	s2 =	sld [smem:$0x3FD9]  }
0x89: {  	s3 =	sld [smem:$0x3FFE];
	_ =	sdelay $0x1  }
0x8a: {  	s1 =	srdreg.scid  }
0x8b: {  	s0 =	sand.u32 $0x1, s1  }
0x8c: {  	s16 =	sshll.u32 s0, $0xA;
	s2 =	sadd.s32 s3, s2  }
0x8d: {  	s2 =	sadd.s32 s2, s16  }
0x8e: {  	[smem:$0x3FB4] =	sst s2  }
0x8f: {  	_ = 	snop  }
0x90: {  	(tm) =	ssettm $0x1  }
0x91: {  	s17 =	sld [smem:$0x3FFB];
	_ =	sdelay $0x3  }
0x92: {  	_ =	strace s17  }
0x93: {  	s2 =	sld [smem:$0x3FFC];
	_ =	sdelay $0x3  }
0x94: {  	_ =	strace s2  }
0x95: {  	s2 =	sld [smem:$0x3FFD];
	_ =	sdelay $0x3  }
0x96: {  	_ =	strace s2  }
0x97: {  	_ =	strace $0x8FFFFFFF  }
0x98: {  	s18 =	sld [smem:$0x3FDB];
	_ =	sdelay $0x1  }
0x99: {  	s19 =	simm.s32 $_scs_section_size  }
0x9a: {  	s4 =	simm.s32 $_size__tile_overlayer_lowered;
	s5 =	simm.s32 $_tile_overlayer_lowered  }
0x9b: {  	s22 =	simm.s32 $0x1BFF;
	s21 =	sshll.u32 s5, $0x1;
	s2 =	sadd.s32 s19, s18  }
0x9c: {  	s6 =	simm.s32 $0x0;
	s20 =	sshll.u32 s4, $0x1;
	s4 =	sadd.s32 s21, s2  }
0x9d: {  	[timem:s6], [sflag:s22] =	dma.local [hbm:s4], s20  }
0x9e: {  	_ =	swait.ge [sflag:s22], s20  }
0x9f: {  	s3 =	ssub.s32 $0x0, s20;
	[sflag:s22] =	ssyncset.done $0x0  }
0xa0: {  	[sflag:s22] =	ssyncadd.s32 s3;
	_ =	sdelay $0x1  }
0xa1: {  	s23 =	simm.s32 $0x1B8B  }
0xa2: {  	_ =	swait.ge [sflag:s23], $0x1  }
0xa3: {  	[sflag:s23] =	ssyncset.done $0x0  }
0xa4: {  	s25 =	simm.s32 $0x1B8E;
	s24 =	sld [smem:$0x3FFE];
	[sflag:s23] =	ssyncadd.s32 $0xFFFFFFFF  }
0xa5: {  	s26 =	simm.s32 $execute0_lowered;
	[smem:$0x3FD2] =	sst s25  }
0xa6: {  	s4 =	sshll.u32 s26, $0x1;
	_ =	strace $0x80000049;
	[dreg:$0x1] =	wrdreg $0xFFFFFFFF  }
0xa7: {  	s28 =	simm.s32 $_size_execute0_lowered;
	s2 =	sadd.s32 s2, s4;
	[dreg:$0x0] =	wrdreg $0x0  }
0xa8: {  	s4 =	sshll.u32 s28, $0x1;
	[dreg:$0x2] =	wrdreg s2  }
0xa9: {  	[dreg:$0x3] =	wrdreg s4  }
0xaa: {  	[dreg:$0x4] =	wrdreg $0xC0  }
0xab: {  	_ =	task [dreg:s6], $0x5FFFF  }
0xac: {  	[dreg:$0x1] =	wrdreg $0xFFFFFFFF  }
0xad: {  	[dreg:$0x0] =	wrdreg $0x60  }
0xae: {  	[dreg:$0x2] =	wrdreg s24  }
0xaf: {  	[dreg:$0x3] =	wrdreg $0x0  }
0xb0: {  	[dreg:$0x4] =	wrdreg $0x9  }
0xb1: {  	_ =	task.clear_ibuf [dreg:s6], $0x5FFFF;
	_ =	strace $0x90000049  }
0xb2: {  	s29 =	simm.s32 $0x9;
	_ =	strace $0x8000004B  }
0xb3: {  	_ =	swait.ge [sflag:s29], $0x1  }
0xb4: {  	[sflag:s29] =	ssyncadd.s32 $0xFFFFFFFF  }
0xb5: {  	_ =	strace $0x9000004B  }
0xb6: {  	_ =	sfence  }
0xb7: {  	s30 =	sld [smem:$0x0];
	_ =	sdelay $0x2  }
0xb8: {  	s31 =	sshll.u32 s1, $0xD;
	s1 =	sshrl.u32 s1, $0x2  }
0xb9: {  	s3 =	sand.u32 $0x4000, s31;
	s1 =	sadd.s32 s1, s30  }
0xba: {  	s0 =	sor.u32 s3, s0;
	s1 =	sshll.u32 s1, $0x11  }
0xbb: {  	s0 =	sor.u32 s1, s0  }
0xbc: {  	s0 =	sadd.s32 $0x8F2B, s0  }
0xbd: {  	[sflag:s0] =	ssyncadd.remote.s32 $0x1  }
0xbe: {  	_ =	sfence.sel $0xFFFF  }
0xbf: {  	[dreg:$0x0] =	wrdreg $0xFFFFFFFF;
	(pc) =	sbr.abs _section_cstart, $3  }
0xc0: {  	[dreg:$0x1] =	wrdreg $0xFFFFFFFF  }
0xc1: {  	_ =	task.clear_ibuf [dreg:s6], $0x2FFFF;
	_ =	strace $0x9FFFFFFF  }
0xc2: {  	(tm) =	ssettm $0x7FFFFFFF  }
0xc3: {  	_ =	shalt  }
tec
execute0_lowered:
.L_overlay_start_1:
0x0: {  	(tag) =	ssettag $0x1  }
0x1: {  	s5 =	rddreg [dreg:$0x0]  }
0x2: {  	s0 =	srdreg.scid;
	s2 =	rddreg [dreg:$0x1]  }
0x3: {  	s1 =	stileid.u32;
	s3 =	simm.s32 $0x0;
	s14 =	simm.s32 $0x13C80  }
0x4: {  	s15 =	simm.s32 $0x80;
	s16 =	simm.s32 $0x13D00;
	s8 =	smul.u32 $0x13C00, s1  }
0x5: {  	s17 =	simm.s32 $0x1;
	s18 =	simm.s32 $0x0;
	s10 =	smul.u32 $0x4F000, s1  }
0x6: {  	s6 =	sand.u32 $0x1, s0;
	s0 =	rddreg [dreg:$0x2];
	s11 =	smul.u32 $0x4F0, s1  }
0x7: {  	[smem:$0x7FF] =	sst s3;
	s4 =	sadd.s32 $0x36000, s5;
	s7 =	smul.u32 $0x4F00, s6  }
0x8: {  	s30 =	sshll.u32 s1, $0x6;
	s9 =	smul.u32 $0x13C000, s6;
	s29 =	ssub.s32 $0x2, s6  }
0x9: {  	_ =	strace $0x8000004A;
	s6 =	sshrl.u32 s29, $0x1;
	s10 =	sshrl.u32 s10, $0x2  }
0xa: {  	s7 =	sadd.s32 s7, s5;
	s9 =	sadd.s32 s8, s9;
	s8 =	sshrl.u32 s8, $0x3  }
0xb: {  	s12 =	ssub.s32 s29, s6;
	s13 =	sadd.s32 s10, s2;
	s6 =	sor.u32 $0x1C02, s30  }
0xc: {  	s9 =	sshrl.u32 s9, $0x3;
	s8 =	sadd.s32 s8, s5;
	s31 =	sadd.s32 s11, s7  }
0xd: {  	s11 =	sshrl.u32 s13, $0x3;
	s13 =	simm.s32 $0x13C00;
	s9 =	sadd.s32 s9, s5  }
0xe: {  	s5 =	sadd.s32 $0xE800, s8;
	s8 =	smax.u32 s12, $0x1;
	s10 =	sadd.s32 $0xAC800, s31  }
0xf: {  	s12 =	simm.s32 $0x2;
	s7 =	sadd.s32 $0xB6600, s9;
	s9 =	sadd.s32 $0x4A00, s31  }
.LBB2_1:
0x10: {  	[spmem:s11], [sflag:s6] =	dma.local [hbm:s5], $0x2780  }
0x11: {  	_ =	swait.ge [sflag:s12], $0x2780  }
0x12: {  	[sflag:s12] =	ssyncset.done $0x0  }
0x13: {  	[sflag:s12] =	ssyncadd.s32 $0xFFFFD880  }
0x14: {  	s19 =	sadd.s32 $0x0, s10;
	[bflag:$0x0] =	sbarrier.arrive $0xFFFF  }
0x15: {  	[tilespmem:s13], [sflag:$0x2] =	stream.linear.gather [hbm4b:s19+s3], $0x80, $0x38;
	[tilespmem:$0x17D00] =	vst v63  }
0x16: {  	_ =	swait.ge [sflag:s12], $0x80  }
0x17: {  	[sflag:s12] =	ssyncset.done $0x0  }
0x18: {  	s31 =	sadd.s32 $0x0, s9;
	[sflag:s12] =	ssyncadd.s32 $0xFFFFFF80  }
0x19: {  	[tilespmem:s14], [sflag:$0x2] =	stream.linear.gather [hbm4b:s31+s3], $0x80, $0x38;
	[tilespmem:$0x17D00] =	vst v63  }
0x1a: {  	_ =	swait.ge [sflag:s12], $0x80  }
0x1b: {  	[sflag:s12] =	ssyncset.done $0x0  }
0x1c: {  	[sflag:s12] =	ssyncadd.s32 $0xFFFFFF80  }
0x1d: {  	[tilespmem:s16], [sflag:$0x1] =	stream.indirect.gather [hbm4b:s4+s15], $0x80, s13, s15, $0xb8;
	[tilespmem:$0x17D00] =	vst v63  }
0x1e: {  	_ =	swait.ge [sflag:s17], $0x4000  }
0x1f: {  	[sflag:s17] =	ssyncset.done $0x0  }
0x20: {  	[sflag:s17] =	ssyncadd.s32 $0xFFFFC000  }
0x21: {  	[spmem:s2] =	stream.indirect.scatter.add.f32 [tilespmem:s16], [sflag:$0x2], $0x80, s14, s15, $0xb8;
	[tilespmem:$0x17D00] =	vst v63  }
0x22: {  	_ =	swait.ge [sflag:s12], $0x4000  }
0x23: {  	s20 =	simm.s32 $0x20;
	s19 =	simm.s32 $0x10;
	[sflag:s12] =	ssyncset.done $0x0  }
.LBB2_2:
0x24: {  	s21 =	sadd.s32 s19, s10  }
0x25: {  	[sflag:s12] =	ssyncadd.s32 $0xFFFFC000;
	s22 =	smov.u32 s20;
	s23 =	sadd.s32 $0x10, s20  }
0x26: {  	[tilespmem:s13], [sflag:$0x2] =	stream.linear.gather [hbm4b:s21+s3], $0x80, $0x38;
	[tilespmem:$0x17D00] =	vst v63  }
0x27: {  	p0 =	sne.s32 s20, $0x4E0;
	_ =	swait.ge [sflag:s12], $0x80  }
0x28: {  	[sflag:s12] =	ssyncset.done $0x0  }
0x29: {  	s20 =	sadd.s32 s19, s9;
	s19 =	smov.u32 s22;
	[sflag:s12] =	ssyncadd.s32 $0xFFFFFF80  }
0x2a: {  	[tilespmem:s14], [sflag:$0x2] =	stream.linear.gather [hbm4b:s20+s3], $0x80, $0x38;
	[tilespmem:$0x17D00] =	vst v63  }
0x2b: {  	_ =	swait.ge [sflag:s12], $0x80  }
0x2c: {  	[sflag:s12] =	ssyncset.done $0x0  }
0x2d: {  	[sflag:s12] =	ssyncadd.s32 $0xFFFFFF80  }
0x2e: {  	[tilespmem:s16], [sflag:$0x1] =	stream.indirect.gather [hbm4b:s4+s15], $0x80, s13, s15, $0xb8;
	[tilespmem:$0x17D00] =	vst v63  }
0x2f: {  	_ =	swait.ge [sflag:s17], $0x4000  }
.Ltmp0:
0x30: {  	[sflag:s17] =	ssyncset.done $0x0;
	(pc) =	sbr.rel @p0 .LBB2_2-.Ltmp0, $4  }
0x31: {  	[sflag:s17] =	ssyncadd.s32 $0xFFFFC000  }
0x32: {  	[spmem:s2] =	stream.indirect.scatter.add.f32 [tilespmem:s16], [sflag:$0x2], $0x80, s14, s15, $0xb8;
	[tilespmem:$0x17D00] =	vst v63  }
0x33: {  	_ =	swait.ge [sflag:s12], $0x4000  }
0x34: {  	s20 =	smov.u32 s23;
	[sflag:s12] =	ssyncset.done $0x0  }
0x35: {  	s20 =	sadd.s32 s19, s10;
	[sflag:s12] =	ssyncadd.s32 $0xFFFFC000  }
0x36: {  	[tilespmem:s13], [sflag:$0x2] =	stream.linear.gather [hbm4b:s20+s3], $0x80, $0x38;
	[tilespmem:$0x17D00] =	vst v63  }
0x37: {  	_ =	swait.ge [sflag:s12], $0x80  }
0x38: {  	[sflag:s12] =	ssyncset.done $0x0  }
0x39: {  	s31 =	sadd.s32 s19, s9;
	[sflag:s12] =	ssyncadd.s32 $0xFFFFFF80  }
0x3a: {  	[tilespmem:s14], [sflag:$0x2] =	stream.linear.gather [hbm4b:s31+s3], $0x80, $0x38;
	[tilespmem:$0x17D00] =	vst v63  }
0x3b: {  	_ =	swait.ge [sflag:s12], $0x80  }
0x3c: {  	[sflag:s12] =	ssyncset.done $0x0  }
0x3d: {  	[sflag:s12] =	ssyncadd.s32 $0xFFFFFF80  }
0x3e: {  	[tilespmem:s16], [sflag:$0x1] =	stream.indirect.gather [hbm4b:s4+s15], $0x80, s13, s15, $0xb8;
	[tilespmem:$0x17D00] =	vst v63  }
0x3f: {  	_ =	swait.ge [sflag:s17], $0x4000  }
0x40: {  	[sflag:s17] =	ssyncset.done $0x0  }
0x41: {  	[sflag:s17] =	ssyncadd.s32 $0xFFFFC000  }
0x42: {  	[spmem:s2] =	stream.indirect.scatter.add.f32 [tilespmem:s16], [sflag:$0x2], $0x80, s14, s15, $0xb8;
	[tilespmem:$0x17D00] =	vst v63  }
0x43: {  	_ =	swait.ge [sflag:s12], $0x4000  }
0x44: {  	s18 =	sadd.s32 $0x1, s18;
	[sflag:s12] =	ssyncset.done $0x0  }
0x45: {  	p0 =	sne.s32 s18, s8;
	[sflag:s12] =	ssyncadd.s32 $0xFFFFC000  }
.Ltmp1:
0x46: {  	[bflag:$0x0] =	sbarrier.arrive $0xFFFF;
	(pc) =	sbr.rel @p0 .LBB2_1-.Ltmp1, $4  }
0x47: {  	[hbm:s7], [sflag:s6] =	dma.local [spmem:s11], $0x2780  }
0x48: {  	_ =	swait.ge [sflag:s12], $0x2780  }
0x49: {  	[sflag:s12] =	ssyncset.done $0x0  }
0x4a: {  	[sflag:s12] =	ssyncadd.s32 $0xFFFFD880  }
0x4b: {  	_ =	sfence.sel $0x180000  }
0x4c: {  	[bflag:$0x0] =	sbarrier.arrive $0xFFFF  }
0x4d: {  	p0 =	sne.s32 s1, $0x0;
	_ =	strace $0x9000004A  }
0x4e: {  	s0 =	sadd.s32 @!p0 $0x100000, s0;
	[bflag:$0x2] =	sbarrier.arrive $0xFFFF  }
0x4f: {  	[sflag:s0] =	ssyncadd.tile.s32 @!p0 $0x1;
	_ =	shalt  }
.Lfunc_end2:
_tile_overlayer_lowered:
.L_overlay_start_2:
0x50: {  	(tag) =	ssettag $0x2  }
0x51: {  	s0 =	rddreg [dreg:$0x0];
	s2 =	stileid.u32  }
0x52: {  	s1 =	rddreg [dreg:$0x1];
	p0 =	sne.s32 s2, $0x0  }
0x53: {  	s3 =	rddreg [dreg:$0x2];
	[bflag:$0x3] =	sbarrier.arrive $0xFFFF;
	s2 =	simm.s32 @!p0 $0x1C02  }
0x54: {  	[timem:s3], [sflag:s2] =	dma.local @!p0 [hbm:s0], s1  }
0x55: {  	s0 =	simm.s32 @!p0 $0x2  }
0x56: {  	_ =	swait.ge @!p0 [sflag:s0], s1  }
0x57: {  	s1 =	ssub.s32 @!p0 $0x0, s1;
	[sflag:s0] =	ssyncset.done @!p0 $0x0  }
0x58: {  	[sflag:s0] =	ssyncadd.s32 @!p0 s1  }
0x59: {  	[bflag:$0x3] =	sbarrier.arrive $0xFFFF  }
0x5a: {  	_ =	shalt  }

// kernel: kernel.16.cloned.1.call-start
scs
__scs_entry_jumppad:
0x0: {  	(pc) =	sbr.rel $0x88, $3  }
0x1: {  	(tag) =	ssettag $0x0;
	lr =	simm.s32 $0x1  }
0x2: {  	[smem:$0x3F8D] =	sst lr;
	_ =	strace $0xD0000000  }
0x3: {  	_ = 	snop  }
0x4: {  	_ = 	snop  }
0x5: {  	_ = 	snop  }
0x6: {  	_ = 	snop  }
0x7: {  	_ = 	snop  }
__scs_overlays_trampoline_lowered:
0x8: {  	[smem:$0x3F9C] =	sst s0  }
0x9: {  	[smem:$0x3F9D] =	sst s1  }
0xa: {  	[smem:$0x3F9E] =	sst s2  }
0xb: {  	[smem:$0x3F9F] =	sst s3  }
0xc: {  	[smem:$0x3FA0] =	sst s4  }
0xd: {  	[smem:$0x3FA1] =	sst s5  }
0xe: {  	[smem:$0x3FA2] =	sst s6  }
0xf: {  	[smem:$0x3FA3] =	sst s7  }
0x10: {  	[smem:$0x3FA4] =	sst s8  }
0x11: {  	[smem:$0x3FA5] =	sst s9;
	s0 =	simm.s32 @!p0 $0x0  }
0x12: {  	s1 =	sld [smem:$0x3F8B];
	s0 =	simm.s32 @p0 $0x1  }
0x13: {  	[smem:$0x3FA6] =	sst s0;
	s0 =	simm.s32 @!p1 $0x0  }
0x14: {  	s2 =	sld [smem:$0x3F8A];
	s0 =	simm.s32 @p1 $0x1  }
0x15: {  	[smem:$0x3FA7] =	sst s0;
	s0 =	simm.s32 @!p2 $0x0  }
0x16: {  	s3 =	sld [smem:$0x3FDB];
	s0 =	simm.s32 @p2 $0x1  }
0x17: {  	s4 =	simm.s32 $0x1BF5;
	[smem:$0x3FA9] =	sst s0  }
0x18: {  	s0 =	sld [smem:$0x3F8C];
	_ =	swait.ge [sflag:s4], $0x0  }
0x19: {  	s7 =	sld [smem:$0x3F8D]  }
0x1a: {  	s8 =	sadd.s32 $0xFFFFE003, lr  }
0x1b: {  	s9 =	sadd.s32 $0xFFFFFEF7, lr;
	s5 =	simm.s32 $0xFFFFFFFF;
	p2 =	slt.u32 s8, $0xFFFFF086  }
0x1c: {  	p1 =	slt.u32 s9, $0xF7A;
	s5 =	simm.s32 @!p2 $0x0  }
0x1d: {  	s5 =	simm.s32 @p1 $0x1;
	p0 =	seq.s32 s7, s2  }
0x1e: {  	s7 =	smul.u32 @!p0 $0xF7A, s2;
	p2 =	seq.s32 @!p0 s5, $0x0  }
0x1f: {  	s9 =	smul.u32 $0xF7A, s1;
	s8 =	simm.s32 @!p0 $0x1BF5;
	p2 =	por !p2, p0  }
0x20: {  	[sflag:s8] =	ssyncset.s32 @!p0 $0xFFFFF086;
	s6 =	sadd.s32 @!p0 s3, s7;
	s7 =	simm.s32 @!p0 $0x108  }
0x21: {  	s3 =	sadd.s32 s3, s9;
	s6 =	sadd.s32 @!p0 $0x88, s6;
	s7 =	simm.s32 @p2 $0x1082  }
0x22: {  	[simem:s7], [sflag:s8] =	dma.local @!p0 [hbm:s6], $0xF7A  }
0x23: {  	s9 =	sor.u32 $0xD0000000, s2;
	s6 =	simm.s32 $0x108;
	_ =	swait.ge @!p0 [sflag:s8], $0x0  }
0x24: {  	s3 =	sadd.s32 $0x88, s3;
	s6 =	simm.s32 @!p1 $0x1082;
	[sflag:s4] =	ssyncset.s32 $0xFFFFF086  }
0x25: {  	[simem:s6], [sflag:s4] =	dma.local [hbm:s3], $0xF7A  }
0x26: {  	[smem:$0x3F8D] =	sst s1;
	(tag) =	ssettag s2;
	_ =	strace s9  }
0x27: {  	s1 =	sld [smem:$0x3F9D]  }
0x28: {  	s2 =	sld [smem:$0x3F9E]  }
0x29: {  	s4 =	sld [smem:$0x3FA0]  }
0x2a: {  	p0 =	seq.s32 s5, $0x0;
	s5 =	sld [smem:$0x3FA1]  }
0x2b: {  	s6 =	sld [smem:$0x3FA2]  }
0x2c: {  	s7 =	sld [smem:$0x3FA3]  }
0x2d: {  	s3 =	simm.s32 $0x108;
	s8 =	sld [smem:$0x3FA4]  }
0x2e: {  	s3 =	simm.s32 @!p0 $0x1082;
	s9 =	sld [smem:$0x3FA5]  }
0x2f: {  	lr =	sadd.s32 s0, s3;
	s0 =	sld [smem:$0x3F9C]  }
0x30: {  	s3 =	sld [smem:$0x3F9F]  }
0x31: {  	[smem:$0x3FA8] =	sst s10  }
0x32: {  	s10 =	sld [smem:$0x3FA6];
	_ =	sdelay $0x3  }
0x33: {  	p0 =	seq.s32 s10, $0x1;
	s10 =	sld [smem:$0x3FA8];
	_ =	sdelay $0x3  }
0x34: {  	[smem:$0x3FA8] =	sst s10  }
0x35: {  	s10 =	sld [smem:$0x3FA7];
	_ =	sdelay $0x3  }
0x36: {  	p1 =	seq.s32 s10, $0x1;
	s10 =	sld [smem:$0x3FA8];
	_ =	sdelay $0x3  }
0x37: {  	[smem:$0x3FA8] =	sst s10  }
0x38: {  	s10 =	sld [smem:$0x3FA9]  }
0x39: {  	_ = 	snop;
	(pc) =	sbr.ind lr, $3  }
0x3a: {  	_ = 	snop  }
0x3b: {  	_ = 	snop  }
0x3c: {  	p2 =	seq.s32 s10, $0x1;
	s10 =	sld [smem:$0x3FA8]  }
0x3d: {  	_ =	shalt  }
0x3e: {  	_ =	shalt  }
0x3f: {  	_ =	shalt  }
0x40: {  	_ =	shalt  }
0x41: {  	_ =	shalt  }
0x42: {  	_ =	shalt  }
0x43: {  	_ =	shalt  }
0x44: {  	_ =	shalt  }
0x45: {  	_ =	shalt  }
0x46: {  	_ =	shalt  }
0x47: {  	_ =	shalt  }
0x48: {  	_ =	shalt  }
0x49: {  	_ =	shalt  }
0x4a: {  	_ =	shalt  }
0x4b: {  	_ =	shalt  }
0x4c: {  	_ =	shalt  }
0x4d: {  	_ =	shalt  }
0x4e: {  	_ =	shalt  }
0x4f: {  	_ =	shalt  }
0x50: {  	_ =	shalt  }
0x51: {  	_ =	shalt  }
0x52: {  	_ =	shalt  }
0x53: {  	_ =	shalt  }
0x54: {  	_ =	shalt  }
0x55: {  	_ =	shalt  }
0x56: {  	_ =	shalt  }
0x57: {  	_ =	shalt  }
0x58: {  	_ =	shalt  }
0x59: {  	_ =	shalt  }
0x5a: {  	_ =	shalt  }
0x5b: {  	_ =	shalt  }
0x5c: {  	_ =	shalt  }
0x5d: {  	_ =	shalt  }
0x5e: {  	_ =	shalt  }
0x5f: {  	_ =	shalt  }
0x60: {  	_ =	shalt  }
0x61: {  	_ =	shalt  }
0x62: {  	_ =	shalt  }
0x63: {  	_ =	shalt  }
0x64: {  	_ =	shalt  }
0x65: {  	_ =	shalt  }
0x66: {  	_ =	shalt  }
0x67: {  	_ =	shalt  }
0x68: {  	_ =	shalt  }
0x69: {  	_ =	shalt  }
0x6a: {  	_ =	shalt  }
0x6b: {  	_ =	shalt  }
0x6c: {  	_ =	shalt  }
0x6d: {  	_ =	shalt  }
0x6e: {  	_ =	shalt  }
0x6f: {  	_ =	shalt  }
0x70: {  	_ =	shalt  }
0x71: {  	_ =	shalt  }
0x72: {  	_ =	shalt  }
0x73: {  	_ =	shalt  }
0x74: {  	_ =	shalt  }
0x75: {  	_ =	shalt  }
0x76: {  	_ =	shalt  }
0x77: {  	_ =	shalt  }
0x78: {  	_ =	shalt  }
0x79: {  	_ =	shalt  }
0x7a: {  	_ =	shalt  }
0x7b: {  	_ =	shalt  }
0x7c: {  	_ =	shalt  }
0x7d: {  	_ =	shalt  }
0x7e: {  	_ =	shalt  }
0x7f: {  	_ =	shalt  }
0x80: {  	_ =	shalt  }
0x81: {  	_ =	shalt  }
0x82: {  	_ =	shalt  }
0x83: {  	_ =	shalt  }
0x84: {  	_ =	shalt  }
0x85: {  	_ =	shalt  }
0x86: {  	_ =	shalt  }
0x87: {  	_ =	shalt  }
.Lfunc_end0:
.L_simem_size_0:
called_computation.2_lowered:
.L_overlay_start_0:
0x88: {  	s2 =	sld [smem:$0x3FD9]  }
0x89: {  	s3 =	sld [smem:$0x3FFE];
	_ =	sdelay $0x1  }
0x8a: {  	s1 =	srdreg.scid  }
0x8b: {  	s0 =	sand.u32 $0x1, s1  }
0x8c: {  	s16 =	sshll.u32 s0, $0xA;
	s2 =	sadd.s32 s3, s2  }
0x8d: {  	s2 =	sadd.s32 s2, s16  }
0x8e: {  	[smem:$0x3FB4] =	sst s2  }
0x8f: {  	_ = 	snop  }
0x90: {  	(tm) =	ssettm $0x1  }
0x91: {  	s17 =	sld [smem:$0x3FFB];
	_ =	sdelay $0x3  }
0x92: {  	_ =	strace s17  }
0x93: {  	s2 =	sld [smem:$0x3FFC];
	_ =	sdelay $0x3  }
0x94: {  	_ =	strace s2  }
0x95: {  	s2 =	sld [smem:$0x3FFD];
	_ =	sdelay $0x3  }
0x96: {  	_ =	strace s2  }
0x97: {  	_ =	strace $0x8FFFFFFF  }
0x98: {  	s18 =	sld [smem:$0x3FDB];
	_ =	sdelay $0x1  }
0x99: {  	s19 =	simm.s32 $_scs_section_size  }
0x9a: {  	s4 =	simm.s32 $_size__tile_overlayer_lowered;
	s5 =	simm.s32 $_tile_overlayer_lowered  }
0x9b: {  	s22 =	simm.s32 $0x1BFF;
	s21 =	sshll.u32 s5, $0x1;
	s2 =	sadd.s32 s19, s18  }
0x9c: {  	s6 =	simm.s32 $0x0;
	s20 =	sshll.u32 s4, $0x1;
	s4 =	sadd.s32 s21, s2  }
0x9d: {  	[timem:s6], [sflag:s22] =	dma.local [hbm:s4], s20  }
0x9e: {  	_ =	swait.ge [sflag:s22], s20  }
0x9f: {  	s3 =	ssub.s32 $0x0, s20;
	[sflag:s22] =	ssyncset.done $0x0  }
0xa0: {  	[sflag:s22] =	ssyncadd.s32 s3;
	_ =	sdelay $0x1  }
0xa1: {  	s23 =	simm.s32 $0x1B8B  }
0xa2: {  	_ =	swait.ge [sflag:s23], $0x1  }
0xa3: {  	[sflag:s23] =	ssyncset.done $0x0  }
0xa4: {  	s25 =	simm.s32 $0x1B8E;
	s24 =	sld [smem:$0x3FFE];
	[sflag:s23] =	ssyncadd.s32 $0xFFFFFFFF  }
0xa5: {  	s26 =	simm.s32 $execute0_lowered;
	[smem:$0x3FD2] =	sst s25  }
0xa6: {  	s4 =	sshll.u32 s26, $0x1;
	_ =	strace $0x8000004C;
	[dreg:$0x1] =	wrdreg $0xFFFFFFFF  }
0xa7: {  	s28 =	simm.s32 $_size_execute0_lowered;
	s2 =	sadd.s32 s2, s4;
	[dreg:$0x0] =	wrdreg $0x0  }
0xa8: {  	s4 =	sshll.u32 s28, $0x1;
	[dreg:$0x2] =	wrdreg s2  }
0xa9: {  	[dreg:$0x3] =	wrdreg s4  }
0xaa: {  	[dreg:$0x4] =	wrdreg $0xC0  }
0xab: {  	_ =	task [dreg:s6], $0x5FFFF  }
0xac: {  	[dreg:$0x1] =	wrdreg $0xFFFFFFFF  }
0xad: {  	[dreg:$0x0] =	wrdreg $0x60  }
0xae: {  	[dreg:$0x2] =	wrdreg s24  }
0xaf: {  	[dreg:$0x3] =	wrdreg $0x0  }
0xb0: {  	[dreg:$0x4] =	wrdreg $0x9  }
0xb1: {  	_ =	task.clear_ibuf [dreg:s6], $0x5FFFF;
	_ =	strace $0x9000004C  }
0xb2: {  	s29 =	simm.s32 $0x9;
	_ =	strace $0x8000004E  }
0xb3: {  	_ =	swait.ge [sflag:s29], $0x1  }
0xb4: {  	[sflag:s29] =	ssyncadd.s32 $0xFFFFFFFF  }
0xb5: {  	_ =	strace $0x9000004E  }
0xb6: {  	_ =	sfence  }
0xb7: {  	s30 =	sld [smem:$0x0];
	_ =	sdelay $0x2  }
0xb8: {  	s31 =	sshll.u32 s1, $0xD;
	s1 =	sshrl.u32 s1, $0x2  }
0xb9: {  	s3 =	sand.u32 $0x4000, s31;
	s1 =	sadd.s32 s1, s30  }
0xba: {  	s0 =	sor.u32 s3, s0;
	s1 =	sshll.u32 s1, $0x11  }
0xbb: {  	s0 =	sor.u32 s1, s0  }
0xbc: {  	s0 =	sadd.s32 $0x8F2B, s0  }
0xbd: {  	[sflag:s0] =	ssyncadd.remote.s32 $0x1  }
0xbe: {  	_ =	sfence.sel $0xFFFF  }
0xbf: {  	[dreg:$0x0] =	wrdreg $0xFFFFFFFF;
	(pc) =	sbr.abs _section_cstart, $3  }
0xc0: {  	[dreg:$0x1] =	wrdreg $0xFFFFFFFF  }
0xc1: {  	_ =	task.clear_ibuf [dreg:s6], $0x2FFFF;
	_ =	strace $0x9FFFFFFF  }
0xc2: {  	(tm) =	ssettm $0x7FFFFFFF  }
0xc3: {  	_ =	shalt  }
tec
execute0_lowered:
.L_overlay_start_1:
0x0: {  	(tag) =	ssettag $0x1  }
0x1: {  	s5 =	rddreg [dreg:$0x0]  }
0x2: {  	s0 =	srdreg.scid;
	s2 =	rddreg [dreg:$0x1]  }
0x3: {  	s1 =	stileid.u32;
	s3 =	simm.s32 $0x0;
	s14 =	simm.s32 $0x13C80  }
0x4: {  	s15 =	simm.s32 $0x80;
	s16 =	simm.s32 $0x13D00;
	s8 =	smul.u32 $0x13C00, s1  }
0x5: {  	s17 =	simm.s32 $0x1;
	s18 =	simm.s32 $0x0;
	s10 =	smul.u32 $0x4F000, s1  }
0x6: {  	s6 =	sand.u32 $0x1, s0;
	s0 =	rddreg [dreg:$0x2];
	s11 =	smul.u32 $0x4F0, s1  }
0x7: {  	[smem:$0x7FF] =	sst s3;
	s4 =	sadd.s32 $0x36000, s5;
	s7 =	smul.u32 $0x4F00, s6  }
0x8: {  	s30 =	sshll.u32 s1, $0x6;
	s9 =	smul.u32 $0x13C000, s6;
	s29 =	ssub.s32 $0x2, s6  }
0x9: {  	_ =	strace $0x8000004D;
	s6 =	sshrl.u32 s29, $0x1;
	s10 =	sshrl.u32 s10, $0x2  }
0xa: {  	s7 =	sadd.s32 s7, s5;
	s9 =	sadd.s32 s8, s9;
	s8 =	sshrl.u32 s8, $0x3  }
0xb: {  	s12 =	ssub.s32 s29, s6;
	s13 =	sadd.s32 s10, s2;
	s6 =	sor.u32 $0x1C02, s30  }
0xc: {  	s9 =	sshrl.u32 s9, $0x3;
	s8 =	sadd.s32 s8, s5;
	s31 =	sadd.s32 s11, s7  }
0xd: {  	s11 =	sshrl.u32 s13, $0x3;
	s13 =	simm.s32 $0x13C00;
	s9 =	sadd.s32 s9, s5  }
0xe: {  	s5 =	sadd.s32 $0xE800, s8;
	s8 =	smax.u32 s12, $0x1;
	s10 =	sadd.s32 $0xAC800, s31  }
0xf: {  	s12 =	simm.s32 $0x2;
	s7 =	sadd.s32 $0xB6600, s9;
	s9 =	sadd.s32 $0x4A00, s31  }
.LBB2_1:
0x10: {  	[spmem:s11], [sflag:s6] =	dma.local [hbm:s5], $0x2780  }
0x11: {  	_ =	swait.ge [sflag:s12], $0x2780  }
0x12: {  	[sflag:s12] =	ssyncset.done $0x0  }
0x13: {  	[sflag:s12] =	ssyncadd.s32 $0xFFFFD880  }
0x14: {  	s19 =	sadd.s32 $0x0, s10;
	[bflag:$0x0] =	sbarrier.arrive $0xFFFF  }
0x15: {  	[tilespmem:s13], [sflag:$0x2] =	stream.linear.gather [hbm4b:s19+s3], $0x80, $0x38;
	[tilespmem:$0x17D00] =	vst v63  }
0x16: {  	_ =	swait.ge [sflag:s12], $0x80  }
0x17: {  	[sflag:s12] =	ssyncset.done $0x0  }
0x18: {  	s31 =	sadd.s32 $0x0, s9;
	[sflag:s12] =	ssyncadd.s32 $0xFFFFFF80  }
0x19: {  	[tilespmem:s14], [sflag:$0x2] =	stream.linear.gather [hbm4b:s31+s3], $0x80, $0x38;
	[tilespmem:$0x17D00] =	vst v63  }
0x1a: {  	_ =	swait.ge [sflag:s12], $0x80  }
0x1b: {  	[sflag:s12] =	ssyncset.done $0x0  }
0x1c: {  	[sflag:s12] =	ssyncadd.s32 $0xFFFFFF80  }
0x1d: {  	[tilespmem:s16], [sflag:$0x1] =	stream.indirect.gather [hbm4b:s4+s15], $0x80, s13, s15, $0xb8;
	[tilespmem:$0x17D00] =	vst v63  }
0x1e: {  	_ =	swait.ge [sflag:s17], $0x4000  }
0x1f: {  	[sflag:s17] =	ssyncset.done $0x0  }
0x20: {  	[sflag:s17] =	ssyncadd.s32 $0xFFFFC000  }
0x21: {  	[spmem:s2] =	stream.indirect.scatter.add.f32 [tilespmem:s16], [sflag:$0x2], $0x80, s14, s15, $0xb8;
	[tilespmem:$0x17D00] =	vst v63  }
0x22: {  	_ =	swait.ge [sflag:s12], $0x4000  }
0x23: {  	s20 =	simm.s32 $0x20;
	s19 =	simm.s32 $0x10;
	[sflag:s12] =	ssyncset.done $0x0  }
.LBB2_2:
0x24: {  	s21 =	sadd.s32 s19, s10  }
0x25: {  	[sflag:s12] =	ssyncadd.s32 $0xFFFFC000;
	s22 =	smov.u32 s20;
	s23 =	sadd.s32 $0x10, s20  }
0x26: {  	[tilespmem:s13], [sflag:$0x2] =	stream.linear.gather [hbm4b:s21+s3], $0x80, $0x38;
	[tilespmem:$0x17D00] =	vst v63  }
0x27: {  	p0 =	sne.s32 s20, $0x4E0;
	_ =	swait.ge [sflag:s12], $0x80  }
0x28: {  	[sflag:s12] =	ssyncset.done $0x0  }
0x29: {  	s20 =	sadd.s32 s19, s9;
	s19 =	smov.u32 s22;
	[sflag:s12] =	ssyncadd.s32 $0xFFFFFF80  }
0x2a: {  	[tilespmem:s14], [sflag:$0x2] =	stream.linear.gather [hbm4b:s20+s3], $0x80, $0x38;
	[tilespmem:$0x17D00] =	vst v63  }
0x2b: {  	_ =	swait.ge [sflag:s12], $0x80  }
0x2c: {  	[sflag:s12] =	ssyncset.done $0x0  }
0x2d: {  	[sflag:s12] =	ssyncadd.s32 $0xFFFFFF80  }
0x2e: {  	[tilespmem:s16], [sflag:$0x1] =	stream.indirect.gather [hbm4b:s4+s15], $0x80, s13, s15, $0xb8;
	[tilespmem:$0x17D00] =	vst v63  }
0x2f: {  	_ =	swait.ge [sflag:s17], $0x4000  }
.Ltmp0:
0x30: {  	[sflag:s17] =	ssyncset.done $0x0;
	(pc) =	sbr.rel @p0 .LBB2_2-.Ltmp0, $4  }
0x31: {  	[sflag:s17] =	ssyncadd.s32 $0xFFFFC000  }
0x32: {  	[spmem:s2] =	stream.indirect.scatter.add.f32 [tilespmem:s16], [sflag:$0x2], $0x80, s14, s15, $0xb8;
	[tilespmem:$0x17D00] =	vst v63  }
0x33: {  	_ =	swait.ge [sflag:s12], $0x4000  }
0x34: {  	s20 =	smov.u32 s23;
	[sflag:s12] =	ssyncset.done $0x0  }
0x35: {  	s20 =	sadd.s32 s19, s10;
	[sflag:s12] =	ssyncadd.s32 $0xFFFFC000  }
0x36: {  	[tilespmem:s13], [sflag:$0x2] =	stream.linear.gather [hbm4b:s20+s3], $0x80, $0x38;
	[tilespmem:$0x17D00] =	vst v63  }
0x37: {  	_ =	swait.ge [sflag:s12], $0x80  }
0x38: {  	[sflag:s12] =	ssyncset.done $0x0  }
0x39: {  	s31 =	sadd.s32 s19, s9;
	[sflag:s12] =	ssyncadd.s32 $0xFFFFFF80  }
0x3a: {  	[tilespmem:s14], [sflag:$0x2] =	stream.linear.gather [hbm4b:s31+s3], $0x80, $0x38;
	[tilespmem:$0x17D00] =	vst v63  }
0x3b: {  	_ =	swait.ge [sflag:s12], $0x80  }
0x3c: {  	[sflag:s12] =	ssyncset.done $0x0  }
0x3d: {  	[sflag:s12] =	ssyncadd.s32 $0xFFFFFF80  }
0x3e: {  	[tilespmem:s16], [sflag:$0x1] =	stream.indirect.gather [hbm4b:s4+s15], $0x80, s13, s15, $0xb8;
	[tilespmem:$0x17D00] =	vst v63  }
0x3f: {  	_ =	swait.ge [sflag:s17], $0x4000  }
0x40: {  	[sflag:s17] =	ssyncset.done $0x0  }
0x41: {  	[sflag:s17] =	ssyncadd.s32 $0xFFFFC000  }
0x42: {  	[spmem:s2] =	stream.indirect.scatter.add.f32 [tilespmem:s16], [sflag:$0x2], $0x80, s14, s15, $0xb8;
	[tilespmem:$0x17D00] =	vst v63  }
0x43: {  	_ =	swait.ge [sflag:s12], $0x4000  }
0x44: {  	s18 =	sadd.s32 $0x1, s18;
	[sflag:s12] =	ssyncset.done $0x0  }
0x45: {  	p0 =	sne.s32 s18, s8;
	[sflag:s12] =	ssyncadd.s32 $0xFFFFC000  }
.Ltmp1:
0x46: {  	[bflag:$0x0] =	sbarrier.arrive $0xFFFF;
	(pc) =	sbr.rel @p0 .LBB2_1-.Ltmp1, $4  }
0x47: {  	[hbm:s7], [sflag:s6] =	dma.local [spmem:s11], $0x2780  }
0x48: {  	_ =	swait.ge [sflag:s12], $0x2780  }
0x49: {  	[sflag:s12] =	ssyncset.done $0x0  }
0x4a: {  	[sflag:s12] =	ssyncadd.s32 $0xFFFFD880  }
0x4b: {  	_ =	sfence.sel $0x180000  }
0x4c: {  	[bflag:$0x0] =	sbarrier.arrive $0xFFFF  }
0x4d: {  	p0 =	sne.s32 s1, $0x0;
	_ =	strace $0x9000004D  }
0x4e: {  	s0 =	sadd.s32 @!p0 $0x100000, s0;
	[bflag:$0x2] =	sbarrier.arrive $0xFFFF  }
0x4f: {  	[sflag:s0] =	ssyncadd.tile.s32 @!p0 $0x1;
	_ =	shalt  }
.Lfunc_end2:
_tile_overlayer_lowered:
.L_overlay_start_2:
0x50: {  	(tag) =	ssettag $0x2  }
0x51: {  	s0 =	rddreg [dreg:$0x0];
	s2 =	stileid.u32  }
0x52: {  	s1 =	rddreg [dreg:$0x1];
	p0 =	sne.s32 s2, $0x0  }
0x53: {  	s3 =	rddreg [dreg:$0x2];
	[bflag:$0x3] =	sbarrier.arrive $0xFFFF;
	s2 =	simm.s32 @!p0 $0x1C02  }
0x54: {  	[timem:s3], [sflag:s2] =	dma.local @!p0 [hbm:s0], s1  }
0x55: {  	s0 =	simm.s32 @!p0 $0x2  }
0x56: {  	_ =	swait.ge @!p0 [sflag:s0], s1  }
0x57: {  	s1 =	ssub.s32 @!p0 $0x0, s1;
	[sflag:s0] =	ssyncset.done @!p0 $0x0  }
0x58: {  	[sflag:s0] =	ssyncadd.s32 @!p0 s1  }
0x59: {  	[bflag:$0x3] =	sbarrier.arrive $0xFFFF  }
0x5a: {  	_ =	shalt  }

// kernel: kernel.19.cloned.1.call-start
scs
__scs_entry_jumppad:
0x0: {  	(pc) =	sbr.rel $0x88, $3  }
0x1: {  	(tag) =	ssettag $0x0;
	lr =	simm.s32 $0x1  }
0x2: {  	[smem:$0x3F8D] =	sst lr;
	_ =	strace $0xD0000000  }
0x3: {  	_ = 	snop  }
0x4: {  	_ = 	snop  }
0x5: {  	_ = 	snop  }
0x6: {  	_ = 	snop  }
0x7: {  	_ = 	snop  }
__scs_overlays_trampoline_lowered:
0x8: {  	[smem:$0x3F9C] =	sst s0  }
0x9: {  	[smem:$0x3F9D] =	sst s1  }
0xa: {  	[smem:$0x3F9E] =	sst s2  }
0xb: {  	[smem:$0x3F9F] =	sst s3  }
0xc: {  	[smem:$0x3FA0] =	sst s4  }
0xd: {  	[smem:$0x3FA1] =	sst s5  }
0xe: {  	[smem:$0x3FA2] =	sst s6  }
0xf: {  	[smem:$0x3FA3] =	sst s7  }
0x10: {  	[smem:$0x3FA4] =	sst s8  }
0x11: {  	[smem:$0x3FA5] =	sst s9;
	s0 =	simm.s32 @!p0 $0x0  }
0x12: {  	s1 =	sld [smem:$0x3F8B];
	s0 =	simm.s32 @p0 $0x1  }
0x13: {  	[smem:$0x3FA6] =	sst s0;
	s0 =	simm.s32 @!p1 $0x0  }
0x14: {  	s2 =	sld [smem:$0x3F8A];
	s0 =	simm.s32 @p1 $0x1  }
0x15: {  	[smem:$0x3FA7] =	sst s0;
	s0 =	simm.s32 @!p2 $0x0  }
0x16: {  	s3 =	sld [smem:$0x3FDB];
	s0 =	simm.s32 @p2 $0x1  }
0x17: {  	s4 =	simm.s32 $0x1BF5;
	[smem:$0x3FA9] =	sst s0  }
0x18: {  	s0 =	sld [smem:$0x3F8C];
	_ =	swait.ge [sflag:s4], $0x0  }
0x19: {  	s7 =	sld [smem:$0x3F8D]  }
0x1a: {  	s8 =	sadd.s32 $0xFFFFE003, lr  }
0x1b: {  	s9 =	sadd.s32 $0xFFFFFEF7, lr;
	s5 =	simm.s32 $0xFFFFFFFF;
	p2 =	slt.u32 s8, $0xFFFFF086  }
0x1c: {  	p1 =	slt.u32 s9, $0xF7A;
	s5 =	simm.s32 @!p2 $0x0  }
0x1d: {  	s5 =	simm.s32 @p1 $0x1;
	p0 =	seq.s32 s7, s2  }
0x1e: {  	s7 =	smul.u32 @!p0 $0xF7A, s2;
	p2 =	seq.s32 @!p0 s5, $0x0  }
0x1f: {  	s9 =	smul.u32 $0xF7A, s1;
	s8 =	simm.s32 @!p0 $0x1BF5;
	p2 =	por !p2, p0  }
0x20: {  	[sflag:s8] =	ssyncset.s32 @!p0 $0xFFFFF086;
	s6 =	sadd.s32 @!p0 s3, s7;
	s7 =	simm.s32 @!p0 $0x108  }
0x21: {  	s3 =	sadd.s32 s3, s9;
	s6 =	sadd.s32 @!p0 $0x88, s6;
	s7 =	simm.s32 @p2 $0x1082  }
0x22: {  	[simem:s7], [sflag:s8] =	dma.local @!p0 [hbm:s6], $0xF7A  }
0x23: {  	s9 =	sor.u32 $0xD0000000, s2;
	s6 =	simm.s32 $0x108;
	_ =	swait.ge @!p0 [sflag:s8], $0x0  }
0x24: {  	s3 =	sadd.s32 $0x88, s3;
	s6 =	simm.s32 @!p1 $0x1082;
	[sflag:s4] =	ssyncset.s32 $0xFFFFF086  }
0x25: {  	[simem:s6], [sflag:s4] =	dma.local [hbm:s3], $0xF7A  }
0x26: {  	[smem:$0x3F8D] =	sst s1;
	(tag) =	ssettag s2;
	_ =	strace s9  }
0x27: {  	s1 =	sld [smem:$0x3F9D]  }
0x28: {  	s2 =	sld [smem:$0x3F9E]  }
0x29: {  	s4 =	sld [smem:$0x3FA0]  }
0x2a: {  	p0 =	seq.s32 s5, $0x0;
	s5 =	sld [smem:$0x3FA1]  }
0x2b: {  	s6 =	sld [smem:$0x3FA2]  }
0x2c: {  	s7 =	sld [smem:$0x3FA3]  }
0x2d: {  	s3 =	simm.s32 $0x108;
	s8 =	sld [smem:$0x3FA4]  }
0x2e: {  	s3 =	simm.s32 @!p0 $0x1082;
	s9 =	sld [smem:$0x3FA5]  }
0x2f: {  	lr =	sadd.s32 s0, s3;
	s0 =	sld [smem:$0x3F9C]  }
0x30: {  	s3 =	sld [smem:$0x3F9F]  }
0x31: {  	[smem:$0x3FA8] =	sst s10  }
0x32: {  	s10 =	sld [smem:$0x3FA6];
	_ =	sdelay $0x3  }
0x33: {  	p0 =	seq.s32 s10, $0x1;
	s10 =	sld [smem:$0x3FA8];
	_ =	sdelay $0x3  }
0x34: {  	[smem:$0x3FA8] =	sst s10  }
0x35: {  	s10 =	sld [smem:$0x3FA7];
	_ =	sdelay $0x3  }
0x36: {  	p1 =	seq.s32 s10, $0x1;
	s10 =	sld [smem:$0x3FA8];
	_ =	sdelay $0x3  }
0x37: {  	[smem:$0x3FA8] =	sst s10  }
0x38: {  	s10 =	sld [smem:$0x3FA9]  }
0x39: {  	_ = 	snop;
	(pc) =	sbr.ind lr, $3  }
0x3a: {  	_ = 	snop  }
0x3b: {  	_ = 	snop  }
0x3c: {  	p2 =	seq.s32 s10, $0x1;
	s10 =	sld [smem:$0x3FA8]  }
0x3d: {  	_ =	shalt  }
0x3e: {  	_ =	shalt  }
0x3f: {  	_ =	shalt  }
0x40: {  	_ =	shalt  }
0x41: {  	_ =	shalt  }
0x42: {  	_ =	shalt  }
0x43: {  	_ =	shalt  }
0x44: {  	_ =	shalt  }
0x45: {  	_ =	shalt  }
0x46: {  	_ =	shalt  }
0x47: {  	_ =	shalt  }
0x48: {  	_ =	shalt  }
0x49: {  	_ =	shalt  }
0x4a: {  	_ =	shalt  }
0x4b: {  	_ =	shalt  }
0x4c: {  	_ =	shalt  }
0x4d: {  	_ =	shalt  }
0x4e: {  	_ =	shalt  }
0x4f: {  	_ =	shalt  }
0x50: {  	_ =	shalt  }
0x51: {  	_ =	shalt  }
0x52: {  	_ =	shalt  }
0x53: {  	_ =	shalt  }
0x54: {  	_ =	shalt  }
0x55: {  	_ =	shalt  }
0x56: {  	_ =	shalt  }
0x57: {  	_ =	shalt  }
0x58: {  	_ =	shalt  }
0x59: {  	_ =	shalt  }
0x5a: {  	_ =	shalt  }
0x5b: {  	_ =	shalt  }
0x5c: {  	_ =	shalt  }
0x5d: {  	_ =	shalt  }
0x5e: {  	_ =	shalt  }
0x5f: {  	_ =	shalt  }
0x60: {  	_ =	shalt  }
0x61: {  	_ =	shalt  }
0x62: {  	_ =	shalt  }
0x63: {  	_ =	shalt  }
0x64: {  	_ =	shalt  }
0x65: {  	_ =	shalt  }
0x66: {  	_ =	shalt  }
0x67: {  	_ =	shalt  }
0x68: {  	_ =	shalt  }
0x69: {  	_ =	shalt  }
0x6a: {  	_ =	shalt  }
0x6b: {  	_ =	shalt  }
0x6c: {  	_ =	shalt  }
0x6d: {  	_ =	shalt  }
0x6e: {  	_ =	shalt  }
0x6f: {  	_ =	shalt  }
0x70: {  	_ =	shalt  }
0x71: {  	_ =	shalt  }
0x72: {  	_ =	shalt  }
0x73: {  	_ =	shalt  }
0x74: {  	_ =	shalt  }
0x75: {  	_ =	shalt  }
0x76: {  	_ =	shalt  }
0x77: {  	_ =	shalt  }
0x78: {  	_ =	shalt  }
0x79: {  	_ =	shalt  }
0x7a: {  	_ =	shalt  }
0x7b: {  	_ =	shalt  }
0x7c: {  	_ =	shalt  }
0x7d: {  	_ =	shalt  }
0x7e: {  	_ =	shalt  }
0x7f: {  	_ =	shalt  }
0x80: {  	_ =	shalt  }
0x81: {  	_ =	shalt  }
0x82: {  	_ =	shalt  }
0x83: {  	_ =	shalt  }
0x84: {  	_ =	shalt  }
0x85: {  	_ =	shalt  }
0x86: {  	_ =	shalt  }
0x87: {  	_ =	shalt  }
.Lfunc_end0:
.L_simem_size_0:
called_computation.3_lowered:
.L_overlay_start_0:
0x88: {  	s2 =	sld [smem:$0x3FD9]  }
0x89: {  	s3 =	sld [smem:$0x3FFE];
	_ =	sdelay $0x1  }
0x8a: {  	s1 =	srdreg.scid  }
0x8b: {  	s0 =	sand.u32 $0x1, s1  }
0x8c: {  	s16 =	sshll.u32 s0, $0xA;
	s2 =	sadd.s32 s3, s2  }
0x8d: {  	s2 =	sadd.s32 s2, s16  }
0x8e: {  	[smem:$0x3FB4] =	sst s2  }
0x8f: {  	_ = 	snop  }
0x90: {  	(tm) =	ssettm $0x1  }
0x91: {  	s17 =	sld [smem:$0x3FFB];
	_ =	sdelay $0x3  }
0x92: {  	_ =	strace s17  }
0x93: {  	s2 =	sld [smem:$0x3FFC];
	_ =	sdelay $0x3  }
0x94: {  	_ =	strace s2  }
0x95: {  	s2 =	sld [smem:$0x3FFD];
	_ =	sdelay $0x3  }
0x96: {  	_ =	strace s2  }
0x97: {  	_ =	strace $0x8FFFFFFF  }
0x98: {  	s18 =	sld [smem:$0x3FDB];
	_ =	sdelay $0x1  }
0x99: {  	s19 =	simm.s32 $_scs_section_size  }
0x9a: {  	s4 =	simm.s32 $_size__tile_overlayer_lowered;
	s5 =	simm.s32 $_tile_overlayer_lowered  }
0x9b: {  	s22 =	simm.s32 $0x1BFF;
	s21 =	sshll.u32 s5, $0x1;
	s2 =	sadd.s32 s19, s18  }
0x9c: {  	s6 =	simm.s32 $0x0;
	s20 =	sshll.u32 s4, $0x1;
	s4 =	sadd.s32 s21, s2  }
0x9d: {  	[timem:s6], [sflag:s22] =	dma.local [hbm:s4], s20  }
0x9e: {  	_ =	swait.ge [sflag:s22], s20  }
0x9f: {  	s3 =	ssub.s32 $0x0, s20;
	[sflag:s22] =	ssyncset.done $0x0  }
0xa0: {  	[sflag:s22] =	ssyncadd.s32 s3;
	_ =	sdelay $0x1  }
0xa1: {  	s23 =	simm.s32 $0x1B8B  }
0xa2: {  	_ =	swait.ge [sflag:s23], $0x1  }
0xa3: {  	[sflag:s23] =	ssyncset.done $0x0  }
0xa4: {  	s25 =	simm.s32 $0x1B8E;
	s24 =	sld [smem:$0x3FFE];
	[sflag:s23] =	ssyncadd.s32 $0xFFFFFFFF  }
0xa5: {  	s26 =	simm.s32 $execute0_lowered;
	[smem:$0x3FD2] =	sst s25  }
0xa6: {  	s4 =	sshll.u32 s26, $0x1;
	_ =	strace $0x8000004F;
	[dreg:$0x1] =	wrdreg $0xFFFFFFFF  }
0xa7: {  	s28 =	simm.s32 $_size_execute0_lowered;
	s2 =	sadd.s32 s2, s4;
	[dreg:$0x0] =	wrdreg $0x0  }
0xa8: {  	s4 =	sshll.u32 s28, $0x1;
	[dreg:$0x2] =	wrdreg s2  }
0xa9: {  	[dreg:$0x3] =	wrdreg s4  }
0xaa: {  	[dreg:$0x4] =	wrdreg $0xC0  }
0xab: {  	_ =	task [dreg:s6], $0x5FFFF  }
0xac: {  	[dreg:$0x1] =	wrdreg $0xFFFFFFFF  }
0xad: {  	[dreg:$0x0] =	wrdreg $0x60  }
0xae: {  	[dreg:$0x2] =	wrdreg s24  }
0xaf: {  	[dreg:$0x3] =	wrdreg $0x0  }
0xb0: {  	[dreg:$0x4] =	wrdreg $0x9  }
0xb1: {  	_ =	task.clear_ibuf [dreg:s6], $0x5FFFF;
	_ =	strace $0x9000004F  }
0xb2: {  	s29 =	simm.s32 $0x9;
	_ =	strace $0x80000051  }
0xb3: {  	_ =	swait.ge [sflag:s29], $0x1  }
0xb4: {  	[sflag:s29] =	ssyncadd.s32 $0xFFFFFFFF  }
0xb5: {  	_ =	strace $0x90000051  }
0xb6: {  	_ =	sfence  }
0xb7: {  	s30 =	sld [smem:$0x0];
	_ =	sdelay $0x2  }
0xb8: {  	s31 =	sshll.u32 s1, $0xD;
	s1 =	sshrl.u32 s1, $0x2  }
0xb9: {  	s3 =	sand.u32 $0x4000, s31;
	s1 =	sadd.s32 s1, s30  }
0xba: {  	s0 =	sor.u32 s3, s0;
	s1 =	sshll.u32 s1, $0x11  }
0xbb: {  	s0 =	sor.u32 s1, s0  }
0xbc: {  	s0 =	sadd.s32 $0x8F2B, s0  }
0xbd: {  	[sflag:s0] =	ssyncadd.remote.s32 $0x1  }
0xbe: {  	_ =	sfence.sel $0xFFFF  }
0xbf: {  	[dreg:$0x0] =	wrdreg $0xFFFFFFFF;
	(pc) =	sbr.abs _section_cstart, $3  }
0xc0: {  	[dreg:$0x1] =	wrdreg $0xFFFFFFFF  }
0xc1: {  	_ =	task.clear_ibuf [dreg:s6], $0x2FFFF;
	_ =	strace $0x9FFFFFFF  }
0xc2: {  	(tm) =	ssettm $0x7FFFFFFF  }
0xc3: {  	_ =	shalt  }
tec
execute0_lowered:
.L_overlay_start_1:
0x0: {  	(tag) =	ssettag $0x1  }
0x1: {  	s5 =	rddreg [dreg:$0x0]  }
0x2: {  	s0 =	srdreg.scid;
	s2 =	rddreg [dreg:$0x1]  }
0x3: {  	s1 =	stileid.u32;
	s3 =	simm.s32 $0x0;
	s14 =	simm.s32 $0x13C80  }
0x4: {  	s15 =	simm.s32 $0x80;
	s16 =	simm.s32 $0x13D00;
	s8 =	smul.u32 $0x13C00, s1  }
0x5: {  	s17 =	simm.s32 $0x1;
	s18 =	simm.s32 $0x0;
	s10 =	smul.u32 $0x4F000, s1  }
0x6: {  	s6 =	sand.u32 $0x1, s0;
	s0 =	rddreg [dreg:$0x2];
	s11 =	smul.u32 $0x4F0, s1  }
0x7: {  	[smem:$0x7FF] =	sst s3;
	s4 =	sadd.s32 $0x36000, s5;
	s7 =	smul.u32 $0x4F00, s6  }
0x8: {  	s30 =	sshll.u32 s1, $0x6;
	s9 =	smul.u32 $0x13C000, s6;
	s29 =	ssub.s32 $0x2, s6  }
0x9: {  	_ =	strace $0x80000050;
	s6 =	sshrl.u32 s29, $0x1;
	s10 =	sshrl.u32 s10, $0x2  }
0xa: {  	s7 =	sadd.s32 s7, s5;
	s9 =	sadd.s32 s8, s9;
	s8 =	sshrl.u32 s8, $0x3  }
0xb: {  	s12 =	ssub.s32 s29, s6;
	s13 =	sadd.s32 s10, s2;
	s6 =	sor.u32 $0x1C02, s30  }
0xc: {  	s9 =	sshrl.u32 s9, $0x3;
	s8 =	sadd.s32 s8, s5;
	s31 =	sadd.s32 s11, s7  }
0xd: {  	s11 =	sshrl.u32 s13, $0x3;
	s13 =	simm.s32 $0x13C00;
	s9 =	sadd.s32 s9, s5  }
0xe: {  	s5 =	sadd.s32 $0xE800, s8;
	s8 =	smax.u32 s12, $0x1;
	s10 =	sadd.s32 $0xAC800, s31  }
0xf: {  	s12 =	simm.s32 $0x2;
	s7 =	sadd.s32 $0xB6600, s9;
	s9 =	sadd.s32 $0x4A00, s31  }
.LBB2_1:
0x10: {  	[spmem:s11], [sflag:s6] =	dma.local [hbm:s5], $0x2780  }
0x11: {  	_ =	swait.ge [sflag:s12], $0x2780  }
0x12: {  	[sflag:s12] =	ssyncset.done $0x0  }
0x13: {  	[sflag:s12] =	ssyncadd.s32 $0xFFFFD880  }
0x14: {  	s19 =	sadd.s32 $0x0, s10;
	[bflag:$0x0] =	sbarrier.arrive $0xFFFF  }
0x15: {  	[tilespmem:s13], [sflag:$0x2] =	stream.linear.gather [hbm4b:s19+s3], $0x80, $0x38;
	[tilespmem:$0x17D00] =	vst v63  }
0x16: {  	_ =	swait.ge [sflag:s12], $0x80  }
0x17: {  	[sflag:s12] =	ssyncset.done $0x0  }
0x18: {  	s31 =	sadd.s32 $0x0, s9;
	[sflag:s12] =	ssyncadd.s32 $0xFFFFFF80  }
0x19: {  	[tilespmem:s14], [sflag:$0x2] =	stream.linear.gather [hbm4b:s31+s3], $0x80, $0x38;
	[tilespmem:$0x17D00] =	vst v63  }
0x1a: {  	_ =	swait.ge [sflag:s12], $0x80  }
0x1b: {  	[sflag:s12] =	ssyncset.done $0x0  }
0x1c: {  	[sflag:s12] =	ssyncadd.s32 $0xFFFFFF80  }
0x1d: {  	[tilespmem:s16], [sflag:$0x1] =	stream.indirect.gather [hbm4b:s4+s15], $0x80, s13, s15, $0xb8;
	[tilespmem:$0x17D00] =	vst v63  }
0x1e: {  	_ =	swait.ge [sflag:s17], $0x4000  }
0x1f: {  	[sflag:s17] =	ssyncset.done $0x0  }
0x20: {  	[sflag:s17] =	ssyncadd.s32 $0xFFFFC000  }
0x21: {  	[spmem:s2] =	stream.indirect.scatter.add.f32 [tilespmem:s16], [sflag:$0x2], $0x80, s14, s15, $0xb8;
	[tilespmem:$0x17D00] =	vst v63  }
0x22: {  	_ =	swait.ge [sflag:s12], $0x4000  }
0x23: {  	s20 =	simm.s32 $0x20;
	s19 =	simm.s32 $0x10;
	[sflag:s12] =	ssyncset.done $0x0  }
.LBB2_2:
0x24: {  	s21 =	sadd.s32 s19, s10  }
0x25: {  	[sflag:s12] =	ssyncadd.s32 $0xFFFFC000;
	s22 =	smov.u32 s20;
	s23 =	sadd.s32 $0x10, s20  }
0x26: {  	[tilespmem:s13], [sflag:$0x2] =	stream.linear.gather [hbm4b:s21+s3], $0x80, $0x38;
	[tilespmem:$0x17D00] =	vst v63  }
0x27: {  	p0 =	sne.s32 s20, $0x4E0;
	_ =	swait.ge [sflag:s12], $0x80  }
0x28: {  	[sflag:s12] =	ssyncset.done $0x0  }
0x29: {  	s20 =	sadd.s32 s19, s9;
	s19 =	smov.u32 s22;
	[sflag:s12] =	ssyncadd.s32 $0xFFFFFF80  }
0x2a: {  	[tilespmem:s14], [sflag:$0x2] =	stream.linear.gather [hbm4b:s20+s3], $0x80, $0x38;
	[tilespmem:$0x17D00] =	vst v63  }
0x2b: {  	_ =	swait.ge [sflag:s12], $0x80  }
0x2c: {  	[sflag:s12] =	ssyncset.done $0x0  }
0x2d: {  	[sflag:s12] =	ssyncadd.s32 $0xFFFFFF80  }
0x2e: {  	[tilespmem:s16], [sflag:$0x1] =	stream.indirect.gather [hbm4b:s4+s15], $0x80, s13, s15, $0xb8;
	[tilespmem:$0x17D00] =	vst v63  }
0x2f: {  	_ =	swait.ge [sflag:s17], $0x4000  }
.Ltmp0:
0x30: {  	[sflag:s17] =	ssyncset.done $0x0;
	(pc) =	sbr.rel @p0 .LBB2_2-.Ltmp0, $4  }
0x31: {  	[sflag:s17] =	ssyncadd.s32 $0xFFFFC000  }
0x32: {  	[spmem:s2] =	stream.indirect.scatter.add.f32 [tilespmem:s16], [sflag:$0x2], $0x80, s14, s15, $0xb8;
	[tilespmem:$0x17D00] =	vst v63  }
0x33: {  	_ =	swait.ge [sflag:s12], $0x4000  }
0x34: {  	s20 =	smov.u32 s23;
	[sflag:s12] =	ssyncset.done $0x0  }
0x35: {  	s20 =	sadd.s32 s19, s10;
	[sflag:s12] =	ssyncadd.s32 $0xFFFFC000  }
0x36: {  	[tilespmem:s13], [sflag:$0x2] =	stream.linear.gather [hbm4b:s20+s3], $0x80, $0x38;
	[tilespmem:$0x17D00] =	vst v63  }
0x37: {  	_ =	swait.ge [sflag:s12], $0x80  }
0x38: {  	[sflag:s12] =	ssyncset.done $0x0  }
0x39: {  	s31 =	sadd.s32 s19, s9;
	[sflag:s12] =	ssyncadd.s32 $0xFFFFFF80  }
0x3a: {  	[tilespmem:s14], [sflag:$0x2] =	stream.linear.gather [hbm4b:s31+s3], $0x80, $0x38;
	[tilespmem:$0x17D00] =	vst v63  }
0x3b: {  	_ =	swait.ge [sflag:s12], $0x80  }
0x3c: {  	[sflag:s12] =	ssyncset.done $0x0  }
0x3d: {  	[sflag:s12] =	ssyncadd.s32 $0xFFFFFF80  }
0x3e: {  	[tilespmem:s16], [sflag:$0x1] =	stream.indirect.gather [hbm4b:s4+s15], $0x80, s13, s15, $0xb8;
	[tilespmem:$0x17D00] =	vst v63  }
0x3f: {  	_ =	swait.ge [sflag:s17], $0x4000  }
0x40: {  	[sflag:s17] =	ssyncset.done $0x0  }
0x41: {  	[sflag:s17] =	ssyncadd.s32 $0xFFFFC000  }
0x42: {  	[spmem:s2] =	stream.indirect.scatter.add.f32 [tilespmem:s16], [sflag:$0x2], $0x80, s14, s15, $0xb8;
	[tilespmem:$0x17D00] =	vst v63  }
0x43: {  	_ =	swait.ge [sflag:s12], $0x4000  }
0x44: {  	s18 =	sadd.s32 $0x1, s18;
	[sflag:s12] =	ssyncset.done $0x0  }
0x45: {  	p0 =	sne.s32 s18, s8;
	[sflag:s12] =	ssyncadd.s32 $0xFFFFC000  }
.Ltmp1:
0x46: {  	[bflag:$0x0] =	sbarrier.arrive $0xFFFF;
	(pc) =	sbr.rel @p0 .LBB2_1-.Ltmp1, $4  }
0x47: {  	[hbm:s7], [sflag:s6] =	dma.local [spmem:s11], $0x2780  }
0x48: {  	_ =	swait.ge [sflag:s12], $0x2780  }
0x49: {  	[sflag:s12] =	ssyncset.done $0x0  }
0x4a: {  	[sflag:s12] =	ssyncadd.s32 $0xFFFFD880  }
0x4b: {  	_ =	sfence.sel $0x180000  }
0x4c: {  	[bflag:$0x0] =	sbarrier.arrive $0xFFFF  }
0x4d: {  	p0 =	sne.s32 s1, $0x0;
	_ =	strace $0x90000050  }
0x4e: {  	s0 =	sadd.s32 @!p0 $0x100000, s0;
	[bflag:$0x2] =	sbarrier.arrive $0xFFFF  }
0x4f: {  	[sflag:s0] =	ssyncadd.tile.s32 @!p0 $0x1;
	_ =	shalt  }
.Lfunc_end2:
_tile_overlayer_lowered:
.L_overlay_start_2:
0x50: {  	(tag) =	ssettag $0x2  }
0x51: {  	s0 =	rddreg [dreg:$0x0];
	s2 =	stileid.u32  }
0x52: {  	s1 =	rddreg [dreg:$0x1];
	p0 =	sne.s32 s2, $0x0  }
0x53: {  	s3 =	rddreg [dreg:$0x2];
	[bflag:$0x3] =	sbarrier.arrive $0xFFFF;
	s2 =	simm.s32 @!p0 $0x1C02  }
0x54: {  	[timem:s3], [sflag:s2] =	dma.local @!p0 [hbm:s0], s1  }
0x55: {  	s0 =	simm.s32 @!p0 $0x2  }
0x56: {  	_ =	swait.ge @!p0 [sflag:s0], s1  }
0x57: {  	s1 =	ssub.s32 @!p0 $0x0, s1;
	[sflag:s0] =	ssyncset.done @!p0 $0x0  }
0x58: {  	[sflag:s0] =	ssyncadd.s32 @!p0 s1  }
0x59: {  	[bflag:$0x3] =	sbarrier.arrive $0xFFFF  }
0x5a: {  	_ =	shalt  }

</sc_bundles>
